<compile_context>
chip_gen: v7x
topology: tpu7x:2x2x1
jax: 0.10.2.dev20260603
libtpu: 0.0.44.dev20260713+nightly
codegen_flags: <defaults>
</compile_context>

<pallas_src>
import functools

import jax
import jax.numpy as jnp
from jax import lax
from jax.experimental import pallas as pl
from jax.experimental.pallas import tpu as pltpu
from jax.experimental.pallas import tpu_sc as plsc

N_NODES = 10000
N_EDGES = 320000
D_FEAT = 128
FP_DIM = 512
N_GRAPHS = 64

NUM_CORES = 2
NUM_SUBCORES = 16
NW = NUM_CORES * NUM_SUBCORES
EDGES_PER_W = N_EDGES // NW
CHUNK = 80
NCHUNK = EDGES_PER_W // CHUNK
GRP = 25
NGRP = NCHUNK // GRP
NBUF = 3
ROWS_PER_S = 624
TAIL_OFF = ROWS_PER_S * NUM_SUBCORES
TAIL_ROWS = N_NODES - TAIL_OFF


def _sc_aggregate(x, src_w, dst_w, zeros):
    mesh = plsc.VectorSubcoreMesh(
        core_axis_name="c", subcore_axis_name="s",
        num_cores=NUM_CORES, num_subcores=NUM_SUBCORES)

    @functools.partial(
        pl.kernel,
        out_type=jax.ShapeDtypeStruct((NUM_CORES, N_NODES, D_FEAT), jnp.float32),
        mesh=mesh,
        scratch_types=[
            pltpu.VMEM((GRP, CHUNK), jnp.int32),
            pltpu.VMEM((GRP, CHUNK), jnp.int32),
            pltpu.VMEM((CHUNK, D_FEAT), jnp.float32),
            pltpu.VMEM((CHUNK, D_FEAT), jnp.float32),
            pltpu.VMEM((CHUNK, D_FEAT), jnp.float32),
            pltpu.VMEM_SHARED((N_NODES, D_FEAT), jnp.float32),
            pltpu.SemaphoreType.DMA,
            pltpu.SemaphoreType.DMA,
            pltpu.SemaphoreType.DMA,
            pltpu.SemaphoreType.DMA,
        ],
        compiler_params=pltpu.CompilerParams(use_tc_tiling_on_sc=False),
    )
    def k(x_hbm, src_hbm, dst_hbm, z_hbm, out_hbm,
          src_v, dst_v, rows_a, rows_b, rows_c, acc,
          sem_ga, sem_gb, sem_gc, sem_z):
        c = lax.axis_index("c")
        s = lax.axis_index("s")
        wid = c * NUM_SUBCORES + s

        def gather(j, rows, sem):
            return pltpu.async_copy(x_hbm.at[src_v.at[j]], rows, sem)

        def gather_wait(j, rows, sem):
            pltpu.make_async_copy(x_hbm.at[src_v.at[j]], rows, sem).wait()

        @pl.when(c == 0)
        def _():
            pltpu.async_copy(x_hbm.at[pl.ds(s * ROWS_PER_S, ROWS_PER_S)],
                             acc.at[pl.ds(s * ROWS_PER_S, ROWS_PER_S)], sem_z)

            @pl.when(s == NUM_SUBCORES - 1)
            def _():
                pltpu.async_copy(x_hbm.at[pl.ds(TAIL_OFF, TAIL_ROWS)],
                                 acc.at[pl.ds(TAIL_OFF, TAIL_ROWS)], sem_z)

        @pl.when(c == 1)
        def _():
            pltpu.async_copy(z_hbm, acc.at[pl.ds(s * ROWS_PER_S, ROWS_PER_S)],
                             sem_z)

            @pl.when(s == NUM_SUBCORES - 1)
            def _():
                pltpu.async_copy(z_hbm.at[pl.ds(0, TAIL_ROWS)],
                                 acc.at[pl.ds(TAIL_OFF, TAIL_ROWS)], sem_z)

        ring = ((rows_a, sem_ga), (rows_b, sem_gb), (rows_c, sem_gc))

        pltpu.sync_copy(src_hbm.at[wid, 0], src_v)
        pltpu.sync_copy(dst_hbm.at[wid, 0], dst_v)
        for b, (rows, sem) in enumerate(ring):
            gather(b, rows, sem)

        pltpu.make_async_copy(
            z_hbm, acc.at[pl.ds(s * ROWS_PER_S, ROWS_PER_S)], sem_z).wait()

        @pl.when(s == NUM_SUBCORES - 1)
        def _():
            pltpu.make_async_copy(
                z_hbm.at[pl.ds(0, TAIL_ROWS)],
                acc.at[pl.ds(TAIL_OFF, TAIL_ROWS)], sem_z).wait()
        plsc.subcore_barrier()

        @pl.loop(0, NGRP)
        def _(g):
            @pl.when(g > 0)
            def _():
                pltpu.sync_copy(src_hbm.at[wid, g], src_v)
                pltpu.sync_copy(dst_hbm.at[wid, g], dst_v)
                for b, (rows, sem) in enumerate(ring):
                    gather(b, rows, sem)

            @pl.loop(0, GRP // NBUF)
            def _(i):
                j = i * NBUF
                for b, (rows, sem) in enumerate(ring):
                    gather_wait(j + b, rows, sem)
                    pltpu.sync_copy(rows, acc.at[dst_v.at[j + b]], add=True)

                    @pl.when(j + b + NBUF < GRP)
                    def _():
                        gather(j + b + NBUF, rows, sem)

            for t in range((GRP // NBUF) * NBUF, GRP):
                rows, sem = ring[t % NBUF]
                gather_wait(t, rows, sem)
                pltpu.sync_copy(rows, acc.at[dst_v.at[t]], add=True)

        plsc.subcore_barrier()
        pltpu.sync_copy(acc.at[pl.ds(s * ROWS_PER_S, ROWS_PER_S)],
                        out_hbm.at[c, pl.ds(s * ROWS_PER_S, ROWS_PER_S)])

        @pl.when(s == NUM_SUBCORES - 1)
        def _():
            pltpu.sync_copy(acc.at[pl.ds(TAIL_OFF, TAIL_ROWS)],
                            out_hbm.at[c, pl.ds(TAIL_OFF, TAIL_ROWS)])

    return k(x, src_w, dst_w, zeros)


BLOCK_N = 2000
N_BLOCKS = N_NODES // BLOCK_N


def _tc_dense_body(p_ref, ids_ref, wh_ref, wfp_ref, out_ref):
    i = pl.program_id(0)
    agg = (p_ref[0] + p_ref[1]).astype(jnp.bfloat16)
    h = jax.nn.sigmoid(
        jnp.dot(agg, wh_ref[...].astype(jnp.bfloat16),
                preferred_element_type=jnp.float32))
    logits = jnp.dot(h.astype(jnp.bfloat16),
                     wfp_ref[...].astype(jnp.bfloat16),
                     preferred_element_type=jnp.float32)
    m = jnp.max(logits, axis=1, keepdims=True)
    e = jnp.exp(logits - m)
    p = e / jnp.sum(e, axis=1, keepdims=True)
    onehot = (lax.broadcasted_iota(jnp.int32, (N_GRAPHS, BLOCK_N), 0)
              == ids_ref[0]).astype(jnp.bfloat16)
    contrib = jnp.dot(onehot, p.astype(jnp.bfloat16),
                      preferred_element_type=jnp.float32)

    @pl.when(i == 0)
    def _():
        out_ref[...] = jnp.zeros_like(out_ref)

    out_ref[...] += contrib


def _tc_dense(partial, ids3, W_h, W_fp):
    return pl.pallas_call(
        _tc_dense_body,
        grid=(N_BLOCKS,),
        in_specs=[
            pl.BlockSpec((NUM_CORES, BLOCK_N, D_FEAT), lambda i: (0, i, 0)),
            pl.BlockSpec((1, 1, BLOCK_N), lambda i: (i, 0, 0)),
            pl.BlockSpec((D_FEAT, D_FEAT), lambda i: (0, 0)),
            pl.BlockSpec((D_FEAT, FP_DIM), lambda i: (0, 0)),
        ],
        out_specs=pl.BlockSpec((N_GRAPHS, FP_DIM), lambda i: (0, 0)),
        out_shape=jax.ShapeDtypeStruct((N_GRAPHS, FP_DIM), jnp.float32),
    )(partial, ids3, W_h, W_fp)


def kernel(x, edge_index, node_graph_ids, W_h, W_fp):
    src_w = edge_index[0].reshape(NW, NGRP, GRP, CHUNK)
    dst_w = edge_index[1].reshape(NW, NGRP, GRP, CHUNK)
    zeros = jnp.zeros((ROWS_PER_S, D_FEAT), jnp.float32)
    partial = _sc_aggregate(x, src_w, dst_w, zeros)
    ids3 = node_graph_ids.reshape(N_BLOCKS, 1, BLOCK_N)
    return _tc_dense(partial, ids3, W_h, W_fp)

# --- scband reference (transcript-rebuilt; emitter-appended) ---
"""Pipeline reference for scband-neural-graph-fingerprint-40484361732769 (READ-ONLY COPY).

The authoritative reference and input builder live on the scoring server;
editing this copy changes nothing except your own understanding.
"""

import jax, jax.numpy as jnp
import numpy as np

N_NODES = 10000
N_EDGES = 320000
D_FEAT = 128
FP_DIM = 512
N_GRAPHS = 64


def setup_inputs(seed: int = 0) -> dict:
    key = jax.random.key(seed)
    k1, k2, k3, k4, k5 = jax.random.split(key, 5)
    x = jax.random.normal(k1, (N_NODES, D_FEAT), dtype=jnp.float32)
    edge_index = jax.random.randint(k2, (2, N_EDGES), 0, N_NODES, dtype=jnp.int32)
    node_graph_ids = jnp.sort(jax.random.randint(k3, (N_NODES,), 0, N_GRAPHS, dtype=jnp.int32))
    # learned parameters (single NGFUpdate layer: layers_dim=[128], bias=False)
    W_h = jax.random.normal(k4, (D_FEAT, D_FEAT), dtype=jnp.float32) * 0.05
    W_fp = jax.random.normal(k5, (D_FEAT, FP_DIM), dtype=jnp.float32) * 0.05
    return {"x": x, "edge_index": edge_index, "node_graph_ids": node_graph_ids, "W_h": W_h, "W_fp": W_fp}


def reference(x, edge_index, node_graph_ids, W_h, W_fp):
    # Duvenaud neural graph fingerprint (https://arxiv.org/pdf/1509.09292.pdf)
    # message: h_src gathered along edges; reduce: sum into dst nodes.
    src = edge_index[0]
    dst = edge_index[1]
    # self-loop normalization (docstring: 'adding self_loop is required') -> + x
    agg = jax.ops.segment_sum(x[src], dst, num_segments=N_NODES) + x
    # NGFUpdate: smooth node update (sigmoid, no bias)
    h = jax.nn.sigmoid(agg @ W_h)
    # sparse fingerprint contribution accumulated into 'rd' (zero-initialized)
    rd = jnp.zeros((N_NODES, FP_DIM), dtype=x.dtype) + jax.nn.softmax(h @ W_fp, axis=-1)
    # gather: sum-pool 'rd' per graph in the batch
    fp = jax.ops.segment_sum(rd, node_graph_ids, num_segments=N_GRAPHS)
    return fp

if __name__ == "__main__":
    import jax
    _d = setup_inputs()
    print(jax.jit(kernel)(*tuple(_d.values())))

</pallas_src>

<mosaic_0001>
#map = affine_map<(d0, d1) -> (0, 0)>
#map1 = affine_map<(d0, d1) -> (0, 0, 0, 0)>
#map2 = affine_map<(d0, d1) -> (0, 0, 0)>
module attributes {stable_mosaic.version = 14 : i64} {
  func.func @k(%arg0: i32, %arg1: i32, %arg2: memref<10000x128xf32, #tpu.memory_space<hbm>>, %arg3: memref<32x5x25x80xi32, #tpu.memory_space<hbm>>, %arg4: memref<32x5x25x80xi32, #tpu.memory_space<hbm>>, %arg5: memref<624x128xf32, #tpu.memory_space<hbm>>, %arg6: memref<2x10000x128xf32, #tpu.memory_space<hbm>>, %arg7: memref<25x80xi32, #tpu.memory_space<vmem>>, %arg8: memref<25x80xi32, #tpu.memory_space<vmem>>, %arg9: memref<80x128xf32, #tpu.memory_space<vmem>>, %arg10: memref<80x128xf32, #tpu.memory_space<vmem>>, %arg11: memref<80x128xf32, #tpu.memory_space<vmem>>, %arg12: memref<10000x128xf32, #tpu.memory_space<vmem_shared>>, %arg13: memref<!tpu.dma_semaphore, #tpu.memory_space<semaphore_mem>>, %arg14: memref<!tpu.dma_semaphore, #tpu.memory_space<semaphore_mem>>, %arg15: memref<!tpu.dma_semaphore, #tpu.memory_space<semaphore_mem>>, %arg16: memref<!tpu.dma_semaphore, #tpu.memory_space<semaphore_mem>>) attributes {dimension_semantics = [#tpu.dimension_semantics<core_parallel>, #tpu.dimension_semantics<subcore_parallel>], iteration_bounds = array<i64: 2, 16>, scalar_prefetch = 0 : i64, scratch_operands = 10 : i64, tpu.core_type = #tpu.core_type<sc_vector_subcore>, window_params = [{transform_indices = #map}, {transform_indices = #map1}, {transform_indices = #map1}, {transform_indices = #map}, {transform_indices = #map2}]} {
    %mul3A = arith.constant 16 : i32
    %mul3A_0 = arith.muli %arg0, %mul3A : i32
    %add3A = arith.addi %mul3A_0, %arg1 : i32
    %eq3A = arith.constant 0 : i32
    %eq3A_1 = arith.cmpi eq, %arg0, %eq3A : i32
    %convert_element_type3A = arith.extui %eq3A_1 : i1 to i32
    %cond3A = arith.constant 0 : i32
    %cond3A_2 = arith.cmpi ne, %convert_element_type3A, %cond3A : i32
    scf.if %cond3A_2 {
      %mul3A_51 = arith.constant 624 : i32
      %mul3A_52 = arith.muli %arg1, %mul3A_51 : i32
      %mul3A_53 = arith.constant 624 : i32
      %mul3A_54 = arith.muli %arg1, %mul3A_53 : i32
      %dma_start3A_55 = arith.constant 0 : i32
      %dma_start3A_56 = tpu.memref_slice %arg12[%mul3A_54, %dma_start3A_55] : memref<10000x128xf32, #tpu.memory_space<vmem_shared>> -> memref<624x128xf32, #tpu.memory_space<vmem_shared>>
      %dma_start3A_57 = arith.constant 0 : i32
      %dma_start3A_58 = tpu.memref_slice %arg2[%mul3A_52, %dma_start3A_57] : memref<10000x128xf32, #tpu.memory_space<hbm>> -> memref<624x128xf32, #tpu.memory_space<hbm>>
      tpu.enqueue_dma source(%dma_start3A_58 : memref<624x128xf32, #tpu.memory_space<hbm>>) target(%dma_start3A_56 : memref<624x128xf32, #tpu.memory_space<vmem_shared>>) target_semaphore(%arg16 : memref<!tpu.dma_semaphore, #tpu.memory_space<semaphore_mem>>)
      %eq3A_59 = arith.constant 15 : i32
      %eq3A_60 = arith.cmpi eq, %arg1, %eq3A_59 : i32
      %convert_element_type3A_61 = arith.extui %eq3A_60 : i1 to i32
      %cond3A_62 = arith.constant 0 : i32
      %cond3A_63 = arith.cmpi ne, %convert_element_type3A_61, %cond3A_62 : i32
      scf.if %cond3A_63 {
        %dma_start3A_64 = arith.constant 9984 : i32
        %dma_start3A_65 = arith.constant 0 : i32
        %dma_start3A_66 = tpu.memref_slice %arg12[%dma_start3A_64, %dma_start3A_65] : memref<10000x128xf32, #tpu.memory_space<vmem_shared>> -> memref<16x128xf32, #tpu.memory_space<vmem_shared>>
        %dma_start3A_67 = arith.constant 9984 : i32
        %dma_start3A_68 = arith.constant 0 : i32
        %dma_start3A_69 = tpu.memref_slice %arg2[%dma_start3A_67, %dma_start3A_68] : memref<10000x128xf32, #tpu.memory_space<hbm>> -> memref<16x128xf32, #tpu.memory_space<hbm>>
        tpu.enqueue_dma source(%dma_start3A_69 : memref<16x128xf32, #tpu.memory_space<hbm>>) target(%dma_start3A_66 : memref<16x128xf32, #tpu.memory_space<vmem_shared>>) target_semaphore(%arg16 : memref<!tpu.dma_semaphore, #tpu.memory_space<semaphore_mem>>)
      } else {
      }
    } else {
    }
    %eq3A_3 = arith.constant 1 : i32
    %eq3A_4 = arith.cmpi eq, %arg0, %eq3A_3 : i32
    %convert_element_type3A_5 = arith.extui %eq3A_4 : i1 to i32
    %cond3A_6 = arith.constant 0 : i32
    %cond3A_7 = arith.cmpi ne, %convert_element_type3A_5, %cond3A_6 : i32
    scf.if %cond3A_7 {
      %mul3A_51 = arith.constant 624 : i32
      %mul3A_52 = arith.muli %arg1, %mul3A_51 : i32
      %dma_start3A_53 = arith.constant 0 : i32
      %dma_start3A_54 = tpu.memref_slice %arg12[%mul3A_52, %dma_start3A_53] : memref<10000x128xf32, #tpu.memory_space<vmem_shared>> -> memref<624x128xf32, #tpu.memory_space<vmem_shared>>
      tpu.enqueue_dma source(%arg5 : memref<624x128xf32, #tpu.memory_space<hbm>>) target(%dma_start3A_54 : memref<624x128xf32, #tpu.memory_space<vmem_shared>>) target_semaphore(%arg16 : memref<!tpu.dma_semaphore, #tpu.memory_space<semaphore_mem>>)
      %eq3A_55 = arith.constant 15 : i32
      %eq3A_56 = arith.cmpi eq, %arg1, %eq3A_55 : i32
      %convert_element_type3A_57 = arith.extui %eq3A_56 : i1 to i32
      %cond3A_58 = arith.constant 0 : i32
      %cond3A_59 = arith.cmpi ne, %convert_element_type3A_57, %cond3A_58 : i32
      scf.if %cond3A_59 {
        %dma_start3A_60 = arith.constant 9984 : i32
        %dma_start3A_61 = arith.constant 0 : i32
        %dma_start3A_62 = tpu.memref_slice %arg12[%dma_start3A_60, %dma_start3A_61] : memref<10000x128xf32, #tpu.memory_space<vmem_shared>> -> memref<16x128xf32, #tpu.memory_space<vmem_shared>>
        %dma_start3A_63 = arith.constant 0 : i32
        %dma_start3A_64 = arith.constant 0 : i32
        %dma_start3A_65 = tpu.memref_slice %arg5[%dma_start3A_63, %dma_start3A_64] : memref<624x128xf32, #tpu.memory_space<hbm>> -> memref<16x128xf32, #tpu.memory_space<hbm>>
        tpu.enqueue_dma source(%dma_start3A_65 : memref<16x128xf32, #tpu.memory_space<hbm>>) target(%dma_start3A_62 : memref<16x128xf32, #tpu.memory_space<vmem_shared>>) target_semaphore(%arg16 : memref<!tpu.dma_semaphore, #tpu.memory_space<semaphore_mem>>)
      } else {
      }
    } else {
    }
    %run_scoped3A = arith.constant 0 : i32
    "tpu.region"() ({
      %run_scoped3A_51 = tpu.sem_alloc : memref<!tpu.dma_semaphore, #tpu.memory_space<semaphore_mem>>
      %dma_start3A_52 = arith.constant 0 : i32
      %dma_start3A_53 = arith.constant 0 : i32
      %dma_start3A_54 = tpu.memref_slice %arg3[%add3A, %run_scoped3A, %dma_start3A_52, %dma_start3A_53] : memref<32x5x25x80xi32, #tpu.memory_space<hbm>> -> memref<1x1x25x80xi32, #tpu.memory_space<hbm>>
      %dma_start3A_55 = tpu.memref_squeeze %dma_start3A_54 : memref<1x1x25x80xi32, #tpu.memory_space<hbm>> -> memref<25x80xi32, #tpu.memory_space<hbm>>
      %dma_start3A_56 = arith.constant 0 : i32
      %dma_start3A_57 = arith.constant 0 : i32
      %dma_start3A_58 = tpu.memref_slice %arg3[%add3A, %run_scoped3A, %dma_start3A_56, %dma_start3A_57] : memref<32x5x25x80xi32, #tpu.memory_space<hbm>> -> memref<1x1x25x80xi32, #tpu.memory_space<hbm>>
      %dma_start3A_59 = tpu.memref_squeeze %dma_start3A_58 : memref<1x1x25x80xi32, #tpu.memory_space<hbm>> -> memref<25x80xi32, #tpu.memory_space<hbm>>
      tpu.enqueue_dma source(%dma_start3A_59 : memref<25x80xi32, #tpu.memory_space<hbm>>) target(%arg7 : memref<25x80xi32, #tpu.memory_space<vmem>>) target_semaphore(%run_scoped3A_51 : memref<!tpu.dma_semaphore, #tpu.memory_space<semaphore_mem>>)
      %dma_wait3A_60 = arith.constant 0 : i32
      %dma_wait3A_61 = arith.constant 0 : i32
      %dma_wait3A_62 = tpu.memref_slice %arg3[%add3A, %run_scoped3A, %dma_wait3A_60, %dma_wait3A_61] : memref<32x5x25x80xi32, #tpu.memory_space<hbm>> -> memref<1x1x25x80xi32, #tpu.memory_space<hbm>>
      %dma_wait3A_63 = tpu.memref_squeeze %dma_wait3A_62 : memref<1x1x25x80xi32, #tpu.memory_space<hbm>> -> memref<25x80xi32, #tpu.memory_space<hbm>>
      %dma_wait3A_64 = arith.constant 0 : i32
      %dma_wait3A_65 = arith.constant 0 : i32
      %dma_wait3A_66 = tpu.memref_slice %arg3[%add3A, %run_scoped3A, %dma_wait3A_64, %dma_wait3A_65] : memref<32x5x25x80xi32, #tpu.memory_space<hbm>> -> memref<1x1x25x80xi32, #tpu.memory_space<hbm>>
      %dma_wait3A_67 = tpu.memref_squeeze %dma_wait3A_66 : memref<1x1x25x80xi32, #tpu.memory_space<hbm>> -> memref<25x80xi32, #tpu.memory_space<hbm>>
      tpu.wait_dma2 semaphore(%run_scoped3A_51 : memref<!tpu.dma_semaphore, #tpu.memory_space<semaphore_mem>>) src(%dma_wait3A_67 : memref<25x80xi32, #tpu.memory_space<hbm>>) dst(%arg7 : memref<25x80xi32, #tpu.memory_space<vmem>>)
      tpu.yield
    }) : () -> ()
    %run_scoped3A_8 = arith.constant 0 : i32
    "tpu.region"() ({
      %run_scoped3A_51 = tpu.sem_alloc : memref<!tpu.dma_semaphore, #tpu.memory_space<semaphore_mem>>
      %dma_start3A_52 = arith.constant 0 : i32
      %dma_start3A_53 = arith.constant 0 : i32
      %dma_start3A_54 = tpu.memref_slice %arg4[%add3A, %run_scoped3A_8, %dma_start3A_52, %dma_start3A_53] : memref<32x5x25x80xi32, #tpu.memory_space<hbm>> -> memref<1x1x25x80xi32, #tpu.memory_space<hbm>>
      %dma_start3A_55 = tpu.memref_squeeze %dma_start3A_54 : memref<1x1x25x80xi32, #tpu.memory_space<hbm>> -> memref<25x80xi32, #tpu.memory_space<hbm>>
      %dma_start3A_56 = arith.constant 0 : i32
      %dma_start3A_57 = arith.constant 0 : i32
      %dma_start3A_58 = tpu.memref_slice %arg4[%add3A, %run_scoped3A_8, %dma_start3A_56, %dma_start3A_57] : memref<32x5x25x80xi32, #tpu.memory_space<hbm>> -> memref<1x1x25x80xi32, #tpu.memory_space<hbm>>
      %dma_start3A_59 = tpu.memref_squeeze %dma_start3A_58 : memref<1x1x25x80xi32, #tpu.memory_space<hbm>> -> memref<25x80xi32, #tpu.memory_space<hbm>>
      tpu.enqueue_dma source(%dma_start3A_59 : memref<25x80xi32, #tpu.memory_space<hbm>>) target(%arg8 : memref<25x80xi32, #tpu.memory_space<vmem>>) target_semaphore(%run_scoped3A_51 : memref<!tpu.dma_semaphore, #tpu.memory_space<semaphore_mem>>)
      %dma_wait3A_60 = arith.constant 0 : i32
      %dma_wait3A_61 = arith.constant 0 : i32
      %dma_wait3A_62 = tpu.memref_slice %arg4[%add3A, %run_scoped3A_8, %dma_wait3A_60, %dma_wait3A_61] : memref<32x5x25x80xi32, #tpu.memory_space<hbm>> -> memref<1x1x25x80xi32, #tpu.memory_space<hbm>>
      %dma_wait3A_63 = tpu.memref_squeeze %dma_wait3A_62 : memref<1x1x25x80xi32, #tpu.memory_space<hbm>> -> memref<25x80xi32, #tpu.memory_space<hbm>>
      %dma_wait3A_64 = arith.constant 0 : i32
      %dma_wait3A_65 = arith.constant 0 : i32
      %dma_wait3A_66 = tpu.memref_slice %arg4[%add3A, %run_scoped3A_8, %dma_wait3A_64, %dma_wait3A_65] : memref<32x5x25x80xi32, #tpu.memory_space<hbm>> -> memref<1x1x25x80xi32, #tpu.memory_space<hbm>>
      %dma_wait3A_67 = tpu.memref_squeeze %dma_wait3A_66 : memref<1x1x25x80xi32, #tpu.memory_space<hbm>> -> memref<25x80xi32, #tpu.memory_space<hbm>>
      tpu.wait_dma2 semaphore(%run_scoped3A_51 : memref<!tpu.dma_semaphore, #tpu.memory_space<semaphore_mem>>) src(%dma_wait3A_67 : memref<25x80xi32, #tpu.memory_space<hbm>>) dst(%arg8 : memref<25x80xi32, #tpu.memory_space<vmem>>)
      tpu.yield
    }) : () -> ()
    %dma_start3A = arith.constant 0 : i32
    %dma_start3A_9 = arith.constant 0 : i32
    %dma_start3A_10 = tpu.memref_slice %arg7[%dma_start3A, %dma_start3A_9] : memref<25x80xi32, #tpu.memory_space<vmem>> -> memref<1x80xi32, #tpu.memory_space<vmem>>
    %dma_start3A_11 = tpu.memref_squeeze %dma_start3A_10 : memref<1x80xi32, #tpu.memory_space<vmem>> -> memref<80xi32, #tpu.memory_space<vmem>>
    %dma_start3A_12 = arith.constant 0 : i32
    %dma_start3A_13 = arith.constant 0 : i32
    %dma_start3A_14 = tpu.memref_slice %arg2[%dma_start3A_12, %dma_start3A_13] : memref<10000x128xf32, #tpu.memory_space<hbm>> -> memref<10000x128xf32, #tpu.memory_space<hbm>>
    tpu.enqueue_indirect_dma source(%dma_start3A_14 : memref<10000x128xf32, #tpu.memory_space<hbm>>) target(%arg9 : memref<80x128xf32, #tpu.memory_space<vmem>>) offsets(%dma_start3A_11 : memref<80xi32, #tpu.memory_space<vmem>>) semaphore(%arg13 : memref<!tpu.dma_semaphore, #tpu.memory_space<semaphore_mem>>)
    %dma_start3A_15 = arith.constant 1 : i32
    %dma_start3A_16 = arith.constant 0 : i32
    %dma_start3A_17 = tpu.memref_slice %arg7[%dma_start3A_15, %dma_start3A_16] : memref<25x80xi32, #tpu.memory_space<vmem>> -> memref<1x80xi32, #tpu.memory_space<vmem>>
    %dma_start3A_18 = tpu.memref_squeeze %dma_start3A_17 : memref<1x80xi32, #tpu.memory_space<vmem>> -> memref<80xi32, #tpu.memory_space<vmem>>
    %dma_start3A_19 = arith.constant 0 : i32
    %dma_start3A_20 = arith.constant 0 : i32
    %dma_start3A_21 = tpu.memref_slice %arg2[%dma_start3A_19, %dma_start3A_20] : memref<10000x128xf32, #tpu.memory_space<hbm>> -> memref<10000x128xf32, #tpu.memory_space<hbm>>
    tpu.enqueue_indirect_dma source(%dma_start3A_21 : memref<10000x128xf32, #tpu.memory_space<hbm>>) target(%arg10 : memref<80x128xf32, #tpu.memory_space<vmem>>) offsets(%dma_start3A_18 : memref<80xi32, #tpu.memory_space<vmem>>) semaphore(%arg14 : memref<!tpu.dma_semaphore, #tpu.memory_space<semaphore_mem>>)
    %dma_start3A_22 = arith.constant 2 : i32
    %dma_start3A_23 = arith.constant 0 : i32
    %dma_start3A_24 = tpu.memref_slice %arg7[%dma_start3A_22, %dma_start3A_23] : memref<25x80xi32, #tpu.memory_space<vmem>> -> memref<1x80xi32, #tpu.memory_space<vmem>>
    %dma_start3A_25 = tpu.memref_squeeze %dma_start3A_24 : memref<1x80xi32, #tpu.memory_space<vmem>> -> memref<80xi32, #tpu.memory_space<vmem>>
    %dma_start3A_26 = arith.constant 0 : i32
    %dma_start3A_27 = arith.constant 0 : i32
    %dma_start3A_28 = tpu.memref_slice %arg2[%dma_start3A_26, %dma_start3A_27] : memref<10000x128xf32, #tpu.memory_space<hbm>> -> memref<10000x128xf32, #tpu.memory_space<hbm>>
    tpu.enqueue_indirect_dma source(%dma_start3A_28 : memref<10000x128xf32, #tpu.memory_space<hbm>>) target(%arg11 : memref<80x128xf32, #tpu.memory_space<vmem>>) offsets(%dma_start3A_25 : memref<80xi32, #tpu.memory_space<vmem>>) semaphore(%arg15 : memref<!tpu.dma_semaphore, #tpu.memory_space<semaphore_mem>>)
    %mul3A_29 = arith.constant 624 : i32
    %mul3A_30 = arith.muli %arg1, %mul3A_29 : i32
    %dma_wait3A = arith.constant 0 : i32
    %dma_wait3A_31 = tpu.memref_slice %arg12[%mul3A_30, %dma_wait3A] : memref<10000x128xf32, #tpu.memory_space<vmem_shared>> -> memref<624x128xf32, #tpu.memory_space<vmem_shared>>
    tpu.wait_dma2 semaphore(%arg16 : memref<!tpu.dma_semaphore, #tpu.memory_space<semaphore_mem>>) src(%arg5 : memref<624x128xf32, #tpu.memory_space<hbm>>) dst(%dma_wait3A_31 : memref<624x128xf32, #tpu.memory_space<vmem_shared>>)
    %eq3A_32 = arith.constant 15 : i32
    %eq3A_33 = arith.cmpi eq, %arg1, %eq3A_32 : i32
    %convert_element_type3A_34 = arith.extui %eq3A_33 : i1 to i32
    %cond3A_35 = arith.constant 0 : i32
    %cond3A_36 = arith.cmpi ne, %convert_element_type3A_34, %cond3A_35 : i32
    scf.if %cond3A_36 {
      %dma_wait3A_51 = arith.constant 9984 : i32
      %dma_wait3A_52 = arith.constant 0 : i32
      %dma_wait3A_53 = tpu.memref_slice %arg12[%dma_wait3A_51, %dma_wait3A_52] : memref<10000x128xf32, #tpu.memory_space<vmem_shared>> -> memref<16x128xf32, #tpu.memory_space<vmem_shared>>
      %dma_wait3A_54 = arith.constant 0 : i32
      %dma_wait3A_55 = arith.constant 0 : i32
      %dma_wait3A_56 = tpu.memref_slice %arg5[%dma_wait3A_54, %dma_wait3A_55] : memref<624x128xf32, #tpu.memory_space<hbm>> -> memref<16x128xf32, #tpu.memory_space<hbm>>
      tpu.wait_dma2 semaphore(%arg16 : memref<!tpu.dma_semaphore, #tpu.memory_space<semaphore_mem>>) src(%dma_wait3A_56 : memref<16x128xf32, #tpu.memory_space<hbm>>) dst(%dma_wait3A_53 : memref<16x128xf32, #tpu.memory_space<vmem_shared>>)
    } else {
    }
    %barrier3A = arith.constant 0 : index
    tpu.barrier barrier_id(%barrier3A)
    %scan3A = arith.constant 0 : i32
    %scan3A_37 = arith.constant 5 : i32
    %scan3A_38 = arith.addi %scan3A, %scan3A_37 : i32
    %scan3A_39 = arith.constant 1 : i32
    scf.for %scan3A_51 = %scan3A to %scan3A_38 step %scan3A_39  : i32 {
      %mul3A_52 = arith.constant 1 : i32
      %mul3A_53 = arith.muli %scan3A_51, %mul3A_52 : i32
      %add3A_54 = arith.constant 0 : i32
      %add3A_55 = arith.addi %add3A_54, %mul3A_53 : i32
      %gt3A = arith.constant 0 : i32
      %gt3A_56 = arith.cmpi sgt, %add3A_55, %gt3A : i32
      %convert_element_type3A_57 = arith.extui %gt3A_56 : i1 to i32
      %cond3A_58 = arith.constant 0 : i32
      %cond3A_59 = arith.cmpi ne, %convert_element_type3A_57, %cond3A_58 : i32
      scf.if %cond3A_59 {
        "tpu.region"() ({
          %run_scoped3A_94 = tpu.sem_alloc : memref<!tpu.dma_semaphore, #tpu.memory_space<semaphore_mem>>
          %dma_start3A_95 = arith.constant 0 : i32
          %dma_start3A_96 = arith.constant 0 : i32
          %dma_start3A_97 = tpu.memref_slice %arg3[%add3A, %add3A_55, %dma_start3A_95, %dma_start3A_96] : memref<32x5x25x80xi32, #tpu.memory_space<hbm>> -> memref<1x1x25x80xi32, #tpu.memory_space<hbm>>
          %dma_start3A_98 = tpu.memref_squeeze %dma_start3A_97 : memref<1x1x25x80xi32, #tpu.memory_space<hbm>> -> memref<25x80xi32, #tpu.memory_space<hbm>>
          %dma_start3A_99 = arith.constant 0 : i32
          %dma_start3A_100 = arith.constant 0 : i32
          %dma_start3A_101 = tpu.memref_slice %arg3[%add3A, %add3A_55, %dma_start3A_99, %dma_start3A_100] : memref<32x5x25x80xi32, #tpu.memory_space<hbm>> -> memref<1x1x25x80xi32, #tpu.memory_space<hbm>>
          %dma_start3A_102 = tpu.memref_squeeze %dma_start3A_101 : memref<1x1x25x80xi32, #tpu.memory_space<hbm>> -> memref<25x80xi32, #tpu.memory_space<hbm>>
          tpu.enqueue_dma source(%dma_start3A_102 : memref<25x80xi32, #tpu.memory_space<hbm>>) target(%arg7 : memref<25x80xi32, #tpu.memory_space<vmem>>) target_semaphore(%run_scoped3A_94 : memref<!tpu.dma_semaphore, #tpu.memory_space<semaphore_mem>>)
          %dma_wait3A_103 = arith.constant 0 : i32
          %dma_wait3A_104 = arith.constant 0 : i32
          %dma_wait3A_105 = tpu.memref_slice %arg3[%add3A, %add3A_55, %dma_wait3A_103, %dma_wait3A_104] : memref<32x5x25x80xi32, #tpu.memory_space<hbm>> -> memref<1x1x25x80xi32, #tpu.memory_space<hbm>>
          %dma_wait3A_106 = tpu.memref_squeeze %dma_wait3A_105 : memref<1x1x25x80xi32, #tpu.memory_space<hbm>> -> memref<25x80xi32, #tpu.memory_space<hbm>>
          %dma_wait3A_107 = arith.constant 0 : i32
          %dma_wait3A_108 = arith.constant 0 : i32
          %dma_wait3A_109 = tpu.memref_slice %arg3[%add3A, %add3A_55, %dma_wait3A_107, %dma_wait3A_108] : memref<32x5x25x80xi32, #tpu.memory_space<hbm>> -> memref<1x1x25x80xi32, #tpu.memory_space<hbm>>
          %dma_wait3A_110 = tpu.memref_squeeze %dma_wait3A_109 : memref<1x1x25x80xi32, #tpu.memory_space<hbm>> -> memref<25x80xi32, #tpu.memory_space<hbm>>
          tpu.wait_dma2 semaphore(%run_scoped3A_94 : memref<!tpu.dma_semaphore, #tpu.memory_space<semaphore_mem>>) src(%dma_wait3A_110 : memref<25x80xi32, #tpu.memory_space<hbm>>) dst(%arg7 : memref<25x80xi32, #tpu.memory_space<vmem>>)
          tpu.yield
        }) : () -> ()
        "tpu.region"() ({
          %run_scoped3A_94 = tpu.sem_alloc : memref<!tpu.dma_semaphore, #tpu.memory_space<semaphore_mem>>
          %dma_start3A_95 = arith.constant 0 : i32
          %dma_start3A_96 = arith.constant 0 : i32
          %dma_start3A_97 = tpu.memref_slice %arg4[%add3A, %add3A_55, %dma_start3A_95, %dma_start3A_96] : memref<32x5x25x80xi32, #tpu.memory_space<hbm>> -> memref<1x1x25x80xi32, #tpu.memory_space<hbm>>
          %dma_start3A_98 = tpu.memref_squeeze %dma_start3A_97 : memref<1x1x25x80xi32, #tpu.memory_space<hbm>> -> memref<25x80xi32, #tpu.memory_space<hbm>>
          %dma_start3A_99 = arith.constant 0 : i32
          %dma_start3A_100 = arith.constant 0 : i32
          %dma_start3A_101 = tpu.memref_slice %arg4[%add3A, %add3A_55, %dma_start3A_99, %dma_start3A_100] : memref<32x5x25x80xi32, #tpu.memory_space<hbm>> -> memref<1x1x25x80xi32, #tpu.memory_space<hbm>>
          %dma_start3A_102 = tpu.memref_squeeze %dma_start3A_101 : memref<1x1x25x80xi32, #tpu.memory_space<hbm>> -> memref<25x80xi32, #tpu.memory_space<hbm>>
          tpu.enqueue_dma source(%dma_start3A_102 : memref<25x80xi32, #tpu.memory_space<hbm>>) target(%arg8 : memref<25x80xi32, #tpu.memory_space<vmem>>) target_semaphore(%run_scoped3A_94 : memref<!tpu.dma_semaphore, #tpu.memory_space<semaphore_mem>>)
          %dma_wait3A_103 = arith.constant 0 : i32
          %dma_wait3A_104 = arith.constant 0 : i32
          %dma_wait3A_105 = tpu.memref_slice %arg4[%add3A, %add3A_55, %dma_wait3A_103, %dma_wait3A_104] : memref<32x5x25x80xi32, #tpu.memory_space<hbm>> -> memref<1x1x25x80xi32, #tpu.memory_space<hbm>>
          %dma_wait3A_106 = tpu.memref_squeeze %dma_wait3A_105 : memref<1x1x25x80xi32, #tpu.memory_space<hbm>> -> memref<25x80xi32, #tpu.memory_space<hbm>>
          %dma_wait3A_107 = arith.constant 0 : i32
          %dma_wait3A_108 = arith.constant 0 : i32
          %dma_wait3A_109 = tpu.memref_slice %arg4[%add3A, %add3A_55, %dma_wait3A_107, %dma_wait3A_108] : memref<32x5x25x80xi32, #tpu.memory_space<hbm>> -> memref<1x1x25x80xi32, #tpu.memory_space<hbm>>
          %dma_wait3A_110 = tpu.memref_squeeze %dma_wait3A_109 : memref<1x1x25x80xi32, #tpu.memory_space<hbm>> -> memref<25x80xi32, #tpu.memory_space<hbm>>
          tpu.wait_dma2 semaphore(%run_scoped3A_94 : memref<!tpu.dma_semaphore, #tpu.memory_space<semaphore_mem>>) src(%dma_wait3A_110 : memref<25x80xi32, #tpu.memory_space<hbm>>) dst(%arg8 : memref<25x80xi32, #tpu.memory_space<vmem>>)
          tpu.yield
        }) : () -> ()
        %dma_start3A_73 = arith.constant 0 : i32
        %dma_start3A_74 = arith.constant 0 : i32
        %dma_start3A_75 = tpu.memref_slice %arg7[%dma_start3A_73, %dma_start3A_74] : memref<25x80xi32, #tpu.memory_space<vmem>> -> memref<1x80xi32, #tpu.memory_space<vmem>>
        %dma_start3A_76 = tpu.memref_squeeze %dma_start3A_75 : memref<1x80xi32, #tpu.memory_space<vmem>> -> memref<80xi32, #tpu.memory_space<vmem>>
        %dma_start3A_77 = arith.constant 0 : i32
        %dma_start3A_78 = arith.constant 0 : i32
        %dma_start3A_79 = tpu.memref_slice %arg2[%dma_start3A_77, %dma_start3A_78] : memref<10000x128xf32, #tpu.memory_space<hbm>> -> memref<10000x128xf32, #tpu.memory_space<hbm>>
        tpu.enqueue_indirect_dma source(%dma_start3A_79 : memref<10000x128xf32, #tpu.memory_space<hbm>>) target(%arg9 : memref<80x128xf32, #tpu.memory_space<vmem>>) offsets(%dma_start3A_76 : memref<80xi32, #tpu.memory_space<vmem>>) semaphore(%arg13 : memref<!tpu.dma_semaphore, #tpu.memory_space<semaphore_mem>>)
        %dma_start3A_80 = arith.constant 1 : i32
        %dma_start3A_81 = arith.constant 0 : i32
        %dma_start3A_82 = tpu.memref_slice %arg7[%dma_start3A_80, %dma_start3A_81] : memref<25x80xi32, #tpu.memory_space<vmem>> -> memref<1x80xi32, #tpu.memory_space<vmem>>
        %dma_start3A_83 = tpu.memref_squeeze %dma_start3A_82 : memref<1x80xi32, #tpu.memory_space<vmem>> -> memref<80xi32, #tpu.memory_space<vmem>>
        %dma_start3A_84 = arith.constant 0 : i32
        %dma_start3A_85 = arith.constant 0 : i32
        %dma_start3A_86 = tpu.memref_slice %arg2[%dma_start3A_84, %dma_start3A_85] : memref<10000x128xf32, #tpu.memory_space<hbm>> -> memref<10000x128xf32, #tpu.memory_space<hbm>>
        tpu.enqueue_indirect_dma source(%dma_start3A_86 : memref<10000x128xf32, #tpu.memory_space<hbm>>) target(%arg10 : memref<80x128xf32, #tpu.memory_space<vmem>>) offsets(%dma_start3A_83 : memref<80xi32, #tpu.memory_space<vmem>>) semaphore(%arg14 : memref<!tpu.dma_semaphore, #tpu.memory_space<semaphore_mem>>)
        %dma_start3A_87 = arith.constant 2 : i32
        %dma_start3A_88 = arith.constant 0 : i32
        %dma_start3A_89 = tpu.memref_slice %arg7[%dma_start3A_87, %dma_start3A_88] : memref<25x80xi32, #tpu.memory_space<vmem>> -> memref<1x80xi32, #tpu.memory_space<vmem>>
        %dma_start3A_90 = tpu.memref_squeeze %dma_start3A_89 : memref<1x80xi32, #tpu.memory_space<vmem>> -> memref<80xi32, #tpu.memory_space<vmem>>
        %dma_start3A_91 = arith.constant 0 : i32
        %dma_start3A_92 = arith.constant 0 : i32
        %dma_start3A_93 = tpu.memref_slice %arg2[%dma_start3A_91, %dma_start3A_92] : memref<10000x128xf32, #tpu.memory_space<hbm>> -> memref<10000x128xf32, #tpu.memory_space<hbm>>
        tpu.enqueue_indirect_dma source(%dma_start3A_93 : memref<10000x128xf32, #tpu.memory_space<hbm>>) target(%arg11 : memref<80x128xf32, #tpu.memory_space<vmem>>) offsets(%dma_start3A_90 : memref<80xi32, #tpu.memory_space<vmem>>) semaphore(%arg15 : memref<!tpu.dma_semaphore, #tpu.memory_space<semaphore_mem>>)
      } else {
      }
      %scan3A_60 = arith.constant 0 : i32
      %scan3A_61 = arith.constant 8 : i32
      %scan3A_62 = arith.addi %scan3A_60, %scan3A_61 : i32
      %scan3A_63 = arith.constant 1 : i32
      scf.for %scan3A_73 = %scan3A_60 to %scan3A_62 step %scan3A_63  : i32 {
        %mul3A_74 = arith.constant 1 : i32
        %mul3A_75 = arith.muli %scan3A_73, %mul3A_74 : i32
        %add3A_76 = arith.constant 0 : i32
        %add3A_77 = arith.addi %add3A_76, %mul3A_75 : i32
        %mul3A_78 = arith.constant 3 : i32
        %mul3A_79 = arith.muli %add3A_77, %mul3A_78 : i32
        %add3A_80 = arith.constant 0 : i32
        %add3A_81 = arith.addi %mul3A_79, %add3A_80 : i32
        %dma_wait3A_82 = arith.constant 0 : i32
        %dma_wait3A_83 = tpu.memref_slice %arg7[%add3A_81, %dma_wait3A_82] : memref<25x80xi32, #tpu.memory_space<vmem>> -> memref<1x80xi32, #tpu.memory_space<vmem>>
        %dma_wait3A_84 = tpu.memref_squeeze %dma_wait3A_83 : memref<1x80xi32, #tpu.memory_space<vmem>> -> memref<80xi32, #tpu.memory_space<vmem>>
        %dma_wait3A_85 = arith.constant 0 : i32
        %dma_wait3A_86 = arith.constant 0 : i32
        %dma_wait3A_87 = tpu.memref_slice %arg2[%dma_wait3A_85, %dma_wait3A_86] : memref<10000x128xf32, #tpu.memory_space<hbm>> -> memref<10000x128xf32, #tpu.memory_space<hbm>>
        tpu.wait_indirect_dma semaphore(%arg13 : memref<!tpu.dma_semaphore, #tpu.memory_space<semaphore_mem>>) src(%dma_wait3A_87 : memref<10000x128xf32, #tpu.memory_space<hbm>>) dst(%arg9 : memref<80x128xf32, #tpu.memory_space<vmem>>)
        %add3A_88 = arith.constant 0 : i32
        %add3A_89 = arith.addi %mul3A_79, %add3A_88 : i32
        "tpu.region"() ({
          %run_scoped3A_136 = tpu.sem_alloc : memref<!tpu.dma_semaphore, #tpu.memory_space<semaphore_mem>>
          %dma_start3A_137 = arith.constant 0 : i32
          %dma_start3A_138 = tpu.memref_slice %arg8[%add3A_89, %dma_start3A_137] : memref<25x80xi32, #tpu.memory_space<vmem>> -> memref<1x80xi32, #tpu.memory_space<vmem>>
          %dma_start3A_139 = tpu.memref_squeeze %dma_start3A_138 : memref<1x80xi32, #tpu.memory_space<vmem>> -> memref<80xi32, #tpu.memory_space<vmem>>
          %dma_start3A_140 = arith.constant 0 : i32
          %dma_start3A_141 = arith.constant 0 : i32
          %dma_start3A_142 = tpu.memref_slice %arg12[%dma_start3A_140, %dma_start3A_141] : memref<10000x128xf32, #tpu.memory_space<vmem_shared>> -> memref<10000x128xf32, #tpu.memory_space<vmem_shared>>
          tpu.enqueue_indirect_dma source(%arg9 : memref<80x128xf32, #tpu.memory_space<vmem>>) target(%dma_start3A_142 : memref<10000x128xf32, #tpu.memory_space<vmem_shared>>) offsets(%dma_start3A_139 : memref<80xi32, #tpu.memory_space<vmem>>) semaphore(%run_scoped3A_136 : memref<!tpu.dma_semaphore, #tpu.memory_space<semaphore_mem>>) {add = true}
          %dma_wait3A_143 = arith.constant 0 : i32
          %dma_wait3A_144 = tpu.memref_slice %arg8[%add3A_89, %dma_wait3A_143] : memref<25x80xi32, #tpu.memory_space<vmem>> -> memref<1x80xi32, #tpu.memory_space<vmem>>
          %dma_wait3A_145 = tpu.memref_squeeze %dma_wait3A_144 : memref<1x80xi32, #tpu.memory_space<vmem>> -> memref<80xi32, #tpu.memory_space<vmem>>
          %dma_wait3A_146 = arith.constant 0 : i32
          %dma_wait3A_147 = arith.constant 0 : i32
          %dma_wait3A_148 = tpu.memref_slice %arg12[%dma_wait3A_146, %dma_wait3A_147] : memref<10000x128xf32, #tpu.memory_space<vmem_shared>> -> memref<10000x128xf32, #tpu.memory_space<vmem_shared>>
          tpu.wait_indirect_dma semaphore(%run_scoped3A_136 : memref<!tpu.dma_semaphore, #tpu.memory_space<semaphore_mem>>) src(%arg9 : memref<80x128xf32, #tpu.memory_space<vmem>>) dst(%dma_wait3A_148 : memref<10000x128xf32, #tpu.memory_space<vmem_shared>>)
          tpu.yield
        }) : () -> ()
        %add3A_90 = arith.constant 0 : i32
        %add3A_91 = arith.addi %mul3A_79, %add3A_90 : i32
        %add3A_92 = arith.constant 3 : i32
        %add3A_93 = arith.addi %add3A_91, %add3A_92 : i32
        %lt3A = arith.constant 25 : i32
        %lt3A_94 = arith.cmpi slt, %add3A_93, %lt3A : i32
        %convert_element_type3A_95 = arith.extui %lt3A_94 : i1 to i32
        %cond3A_96 = arith.constant 0 : i32
        %cond3A_97 = arith.cmpi ne, %convert_element_type3A_95, %cond3A_96 : i32
        scf.if %cond3A_97 {
          %add3A_136 = arith.constant 0 : i32
          %add3A_137 = arith.addi %mul3A_79, %add3A_136 : i32
          %add3A_138 = arith.constant 3 : i32
          %add3A_139 = arith.addi %add3A_137, %add3A_138 : i32
          %dma_start3A_140 = arith.constant 0 : i32
          %dma_start3A_141 = tpu.memref_slice %arg7[%add3A_139, %dma_start3A_140] : memref<25x80xi32, #tpu.memory_space<vmem>> -> memref<1x80xi32, #tpu.memory_space<vmem>>
          %dma_start3A_142 = tpu.memref_squeeze %dma_start3A_141 : memref<1x80xi32, #tpu.memory_space<vmem>> -> memref<80xi32, #tpu.memory_space<vmem>>
          %dma_start3A_143 = arith.constant 0 : i32
          %dma_start3A_144 = arith.constant 0 : i32
          %dma_start3A_145 = tpu.memref_slice %arg2[%dma_start3A_143, %dma_start3A_144] : memref<10000x128xf32, #tpu.memory_space<hbm>> -> memref<10000x128xf32, #tpu.memory_space<hbm>>
          tpu.enqueue_indirect_dma source(%dma_start3A_145 : memref<10000x128xf32, #tpu.memory_space<hbm>>) target(%arg9 : memref<80x128xf32, #tpu.memory_space<vmem>>) offsets(%dma_start3A_142 : memref<80xi32, #tpu.memory_space<vmem>>) semaphore(%arg13 : memref<!tpu.dma_semaphore, #tpu.memory_space<semaphore_mem>>)
        } else {
        }
        %add3A_98 = arith.constant 1 : i32
        %add3A_99 = arith.addi %mul3A_79, %add3A_98 : i32
        %dma_wait3A_100 = arith.constant 0 : i32
        %dma_wait3A_101 = tpu.memref_slice %arg7[%add3A_99, %dma_wait3A_100] : memref<25x80xi32, #tpu.memory_space<vmem>> -> memref<1x80xi32, #tpu.memory_space<vmem>>
        %dma_wait3A_102 = tpu.memref_squeeze %dma_wait3A_101 : memref<1x80xi32, #tpu.memory_space<vmem>> -> memref<80xi32, #tpu.memory_space<vmem>>
        %dma_wait3A_103 = arith.constant 0 : i32
        %dma_wait3A_104 = arith.constant 0 : i32
        %dma_wait3A_105 = tpu.memref_slice %arg2[%dma_wait3A_103, %dma_wait3A_104] : memref<10000x128xf32, #tpu.memory_space<hbm>> -> memref<10000x128xf32, #tpu.memory_space<hbm>>
        tpu.wait_indirect_dma semaphore(%arg14 : memref<!tpu.dma_semaphore, #tpu.memory_space<semaphore_mem>>) src(%dma_wait3A_105 : memref<10000x128xf32, #tpu.memory_space<hbm>>) dst(%arg10 : memref<80x128xf32, #tpu.memory_space<vmem>>)
        %add3A_106 = arith.constant 1 : i32
        %add3A_107 = arith.addi %mul3A_79, %add3A_106 : i32
        "tpu.region"() ({
          %run_scoped3A_136 = tpu.sem_alloc : memref<!tpu.dma_semaphore, #tpu.memory_space<semaphore_mem>>
          %dma_start3A_137 = arith.constant 0 : i32
          %dma_start3A_138 = tpu.memref_slice %arg8[%add3A_107, %dma_start3A_137] : memref<25x80xi32, #tpu.memory_space<vmem>> -> memref<1x80xi32, #tpu.memory_space<vmem>>
          %dma_start3A_139 = tpu.memref_squeeze %dma_start3A_138 : memref<1x80xi32, #tpu.memory_space<vmem>> -> memref<80xi32, #tpu.memory_space<vmem>>
          %dma_start3A_140 = arith.constant 0 : i32
          %dma_start3A_141 = arith.constant 0 : i32
          %dma_start3A_142 = tpu.memref_slice %arg12[%dma_start3A_140, %dma_start3A_141] : memref<10000x128xf32, #tpu.memory_space<vmem_shared>> -> memref<10000x128xf32, #tpu.memory_space<vmem_shared>>
          tpu.enqueue_indirect_dma source(%arg10 : memref<80x128xf32, #tpu.memory_space<vmem>>) target(%dma_start3A_142 : memref<10000x128xf32, #tpu.memory_space<vmem_shared>>) offsets(%dma_start3A_139 : memref<80xi32, #tpu.memory_space<vmem>>) semaphore(%run_scoped3A_136 : memref<!tpu.dma_semaphore, #tpu.memory_space<semaphore_mem>>) {add = true}
          %dma_wait3A_143 = arith.constant 0 : i32
          %dma_wait3A_144 = tpu.memref_slice %arg8[%add3A_107, %dma_wait3A_143] : memref<25x80xi32, #tpu.memory_space<vmem>> -> memref<1x80xi32, #tpu.memory_space<vmem>>
          %dma_wait3A_145 = tpu.memref_squeeze %dma_wait3A_144 : memref<1x80xi32, #tpu.memory_space<vmem>> -> memref<80xi32, #tpu.memory_space<vmem>>
          %dma_wait3A_146 = arith.constant 0 : i32
          %dma_wait3A_147 = arith.constant 0 : i32
          %dma_wait3A_148 = tpu.memref_slice %arg12[%dma_wait3A_146, %dma_wait3A_147] : memref<10000x128xf32, #tpu.memory_space<vmem_shared>> -> memref<10000x128xf32, #tpu.memory_space<vmem_shared>>
          tpu.wait_indirect_dma semaphore(%run_scoped3A_136 : memref<!tpu.dma_semaphore, #tpu.memory_space<semaphore_mem>>) src(%arg10 : memref<80x128xf32, #tpu.memory_space<vmem>>) dst(%dma_wait3A_148 : memref<10000x128xf32, #tpu.memory_space<vmem_shared>>)
          tpu.yield
        }) : () -> ()
        %add3A_108 = arith.constant 1 : i32
        %add3A_109 = arith.addi %mul3A_79, %add3A_108 : i32
        %add3A_110 = arith.constant 3 : i32
        %add3A_111 = arith.addi %add3A_109, %add3A_110 : i32
        %lt3A_112 = arith.constant 25 : i32
        %lt3A_113 = arith.cmpi slt, %add3A_111, %lt3A_112 : i32
        %convert_element_type3A_114 = arith.extui %lt3A_113 : i1 to i32
        %cond3A_115 = arith.constant 0 : i32
        %cond3A_116 = arith.cmpi ne, %convert_element_type3A_114, %cond3A_115 : i32
        scf.if %cond3A_116 {
          %add3A_136 = arith.constant 1 : i32
          %add3A_137 = arith.addi %mul3A_79, %add3A_136 : i32
          %add3A_138 = arith.constant 3 : i32
          %add3A_139 = arith.addi %add3A_137, %add3A_138 : i32
          %dma_start3A_140 = arith.constant 0 : i32
          %dma_start3A_141 = tpu.memref_slice %arg7[%add3A_139, %dma_start3A_140] : memref<25x80xi32, #tpu.memory_space<vmem>> -> memref<1x80xi32, #tpu.memory_space<vmem>>
          %dma_start3A_142 = tpu.memref_squeeze %dma_start3A_141 : memref<1x80xi32, #tpu.memory_space<vmem>> -> memref<80xi32, #tpu.memory_space<vmem>>
          %dma_start3A_143 = arith.constant 0 : i32
          %dma_start3A_144 = arith.constant 0 : i32
          %dma_start3A_145 = tpu.memref_slice %arg2[%dma_start3A_143, %dma_start3A_144] : memref<10000x128xf32, #tpu.memory_space<hbm>> -> memref<10000x128xf32, #tpu.memory_space<hbm>>
          tpu.enqueue_indirect_dma source(%dma_start3A_145 : memref<10000x128xf32, #tpu.memory_space<hbm>>) target(%arg10 : memref<80x128xf32, #tpu.memory_space<vmem>>) offsets(%dma_start3A_142 : memref<80xi32, #tpu.memory_space<vmem>>) semaphore(%arg14 : memref<!tpu.dma_semaphore, #tpu.memory_space<semaphore_mem>>)
        } else {
        }
        %add3A_117 = arith.constant 2 : i32
        %add3A_118 = arith.addi %mul3A_79, %add3A_117 : i32
        %dma_wait3A_119 = arith.constant 0 : i32
        %dma_wait3A_120 = tpu.memref_slice %arg7[%add3A_118, %dma_wait3A_119] : memref<25x80xi32, #tpu.memory_space<vmem>> -> memref<1x80xi32, #tpu.memory_space<vmem>>
        %dma_wait3A_121 = tpu.memref_squeeze %dma_wait3A_120 : memref<1x80xi32, #tpu.memory_space<vmem>> -> memref<80xi32, #tpu.memory_space<vmem>>
        %dma_wait3A_122 = arith.constant 0 : i32
        %dma_wait3A_123 = arith.constant 0 : i32
        %dma_wait3A_124 = tpu.memref_slice %arg2[%dma_wait3A_122, %dma_wait3A_123] : memref<10000x128xf32, #tpu.memory_space<hbm>> -> memref<10000x128xf32, #tpu.memory_space<hbm>>
        tpu.wait_indirect_dma semaphore(%arg15 : memref<!tpu.dma_semaphore, #tpu.memory_space<semaphore_mem>>) src(%dma_wait3A_124 : memref<10000x128xf32, #tpu.memory_space<hbm>>) dst(%arg11 : memref<80x128xf32, #tpu.memory_space<vmem>>)
        %add3A_125 = arith.constant 2 : i32
        %add3A_126 = arith.addi %mul3A_79, %add3A_125 : i32
        "tpu.region"() ({
          %run_scoped3A_136 = tpu.sem_alloc : memref<!tpu.dma_semaphore, #tpu.memory_space<semaphore_mem>>
          %dma_start3A_137 = arith.constant 0 : i32
          %dma_start3A_138 = tpu.memref_slice %arg8[%add3A_126, %dma_start3A_137] : memref<25x80xi32, #tpu.memory_space<vmem>> -> memref<1x80xi32, #tpu.memory_space<vmem>>
          %dma_start3A_139 = tpu.memref_squeeze %dma_start3A_138 : memref<1x80xi32, #tpu.memory_space<vmem>> -> memref<80xi32, #tpu.memory_space<vmem>>
          %dma_start3A_140 = arith.constant 0 : i32
          %dma_start3A_141 = arith.constant 0 : i32
          %dma_start3A_142 = tpu.memref_slice %arg12[%dma_start3A_140, %dma_start3A_141] : memref<10000x128xf32, #tpu.memory_space<vmem_shared>> -> memref<10000x128xf32, #tpu.memory_space<vmem_shared>>
          tpu.enqueue_indirect_dma source(%arg11 : memref<80x128xf32, #tpu.memory_space<vmem>>) target(%dma_start3A_142 : memref<10000x128xf32, #tpu.memory_space<vmem_shared>>) offsets(%dma_start3A_139 : memref<80xi32, #tpu.memory_space<vmem>>) semaphore(%run_scoped3A_136 : memref<!tpu.dma_semaphore, #tpu.memory_space<semaphore_mem>>) {add = true}
          %dma_wait3A_143 = arith.constant 0 : i32
          %dma_wait3A_144 = tpu.memref_slice %arg8[%add3A_126, %dma_wait3A_143] : memref<25x80xi32, #tpu.memory_space<vmem>> -> memref<1x80xi32, #tpu.memory_space<vmem>>
          %dma_wait3A_145 = tpu.memref_squeeze %dma_wait3A_144 : memref<1x80xi32, #tpu.memory_space<vmem>> -> memref<80xi32, #tpu.memory_space<vmem>>
          %dma_wait3A_146 = arith.constant 0 : i32
          %dma_wait3A_147 = arith.constant 0 : i32
          %dma_wait3A_148 = tpu.memref_slice %arg12[%dma_wait3A_146, %dma_wait3A_147] : memref<10000x128xf32, #tpu.memory_space<vmem_shared>> -> memref<10000x128xf32, #tpu.memory_space<vmem_shared>>
          tpu.wait_indirect_dma semaphore(%run_scoped3A_136 : memref<!tpu.dma_semaphore, #tpu.memory_space<semaphore_mem>>) src(%arg11 : memref<80x128xf32, #tpu.memory_space<vmem>>) dst(%dma_wait3A_148 : memref<10000x128xf32, #tpu.memory_space<vmem_shared>>)
          tpu.yield
        }) : () -> ()
        %add3A_127 = arith.constant 2 : i32
        %add3A_128 = arith.addi %mul3A_79, %add3A_127 : i32
        %add3A_129 = arith.constant 3 : i32
        %add3A_130 = arith.addi %add3A_128, %add3A_129 : i32
        %lt3A_131 = arith.constant 25 : i32
        %lt3A_132 = arith.cmpi slt, %add3A_130, %lt3A_131 : i32
        %convert_element_type3A_133 = arith.extui %lt3A_132 : i1 to i32
        %cond3A_134 = arith.constant 0 : i32
        %cond3A_135 = arith.cmpi ne, %convert_element_type3A_133, %cond3A_134 : i32
        scf.if %cond3A_135 {
          %add3A_136 = arith.constant 2 : i32
          %add3A_137 = arith.addi %mul3A_79, %add3A_136 : i32
          %add3A_138 = arith.constant 3 : i32
          %add3A_139 = arith.addi %add3A_137, %add3A_138 : i32
          %dma_start3A_140 = arith.constant 0 : i32
          %dma_start3A_141 = tpu.memref_slice %arg7[%add3A_139, %dma_start3A_140] : memref<25x80xi32, #tpu.memory_space<vmem>> -> memref<1x80xi32, #tpu.memory_space<vmem>>
          %dma_start3A_142 = tpu.memref_squeeze %dma_start3A_141 : memref<1x80xi32, #tpu.memory_space<vmem>> -> memref<80xi32, #tpu.memory_space<vmem>>
          %dma_start3A_143 = arith.constant 0 : i32
          %dma_start3A_144 = arith.constant 0 : i32
          %dma_start3A_145 = tpu.memref_slice %arg2[%dma_start3A_143, %dma_start3A_144] : memref<10000x128xf32, #tpu.memory_space<hbm>> -> memref<10000x128xf32, #tpu.memory_space<hbm>>
          tpu.enqueue_indirect_dma source(%dma_start3A_145 : memref<10000x128xf32, #tpu.memory_space<hbm>>) target(%arg11 : memref<80x128xf32, #tpu.memory_space<vmem>>) offsets(%dma_start3A_142 : memref<80xi32, #tpu.memory_space<vmem>>) semaphore(%arg15 : memref<!tpu.dma_semaphore, #tpu.memory_space<semaphore_mem>>)
        } else {
        }
      }
      %scan3A_64 = arith.constant 8 : i32
      %dma_wait3A_65 = arith.constant 24 : i32
      %dma_wait3A_66 = arith.constant 0 : i32
      %dma_wait3A_67 = tpu.memref_slice %arg7[%dma_wait3A_65, %dma_wait3A_66] : memref<25x80xi32, #tpu.memory_space<vmem>> -> memref<1x80xi32, #tpu.memory_space<vmem>>
      %dma_wait3A_68 = tpu.memref_squeeze %dma_wait3A_67 : memref<1x80xi32, #tpu.memory_space<vmem>> -> memref<80xi32, #tpu.memory_space<vmem>>
      %dma_wait3A_69 = arith.constant 0 : i32
      %dma_wait3A_70 = arith.constant 0 : i32
      %dma_wait3A_71 = tpu.memref_slice %arg2[%dma_wait3A_69, %dma_wait3A_70] : memref<10000x128xf32, #tpu.memory_space<hbm>> -> memref<10000x128xf32, #tpu.memory_space<hbm>>
      tpu.wait_indirect_dma semaphore(%arg13 : memref<!tpu.dma_semaphore, #tpu.memory_space<semaphore_mem>>) src(%dma_wait3A_71 : memref<10000x128xf32, #tpu.memory_space<hbm>>) dst(%arg9 : memref<80x128xf32, #tpu.memory_space<vmem>>)
      %run_scoped3A_72 = arith.constant 24 : i32
      "tpu.region"() ({
        %run_scoped3A_73 = tpu.sem_alloc : memref<!tpu.dma_semaphore, #tpu.memory_space<semaphore_mem>>
        %dma_start3A_74 = arith.constant 0 : i32
        %dma_start3A_75 = tpu.memref_slice %arg8[%run_scoped3A_72, %dma_start3A_74] : memref<25x80xi32, #tpu.memory_space<vmem>> -> memref<1x80xi32, #tpu.memory_space<vmem>>
        %dma_start3A_76 = tpu.memref_squeeze %dma_start3A_75 : memref<1x80xi32, #tpu.memory_space<vmem>> -> memref<80xi32, #tpu.memory_space<vmem>>
        %dma_start3A_77 = arith.constant 0 : i32
        %dma_start3A_78 = arith.constant 0 : i32
        %dma_start3A_79 = tpu.memref_slice %arg12[%dma_start3A_77, %dma_start3A_78] : memref<10000x128xf32, #tpu.memory_space<vmem_shared>> -> memref<10000x128xf32, #tpu.memory_space<vmem_shared>>
        tpu.enqueue_indirect_dma source(%arg9 : memref<80x128xf32, #tpu.memory_space<vmem>>) target(%dma_start3A_79 : memref<10000x128xf32, #tpu.memory_space<vmem_shared>>) offsets(%dma_start3A_76 : memref<80xi32, #tpu.memory_space<vmem>>) semaphore(%run_scoped3A_73 : memref<!tpu.dma_semaphore, #tpu.memory_space<semaphore_mem>>) {add = true}
        %dma_wait3A_80 = arith.constant 0 : i32
        %dma_wait3A_81 = tpu.memref_slice %arg8[%run_scoped3A_72, %dma_wait3A_80] : memref<25x80xi32, #tpu.memory_space<vmem>> -> memref<1x80xi32, #tpu.memory_space<vmem>>
        %dma_wait3A_82 = tpu.memref_squeeze %dma_wait3A_81 : memref<1x80xi32, #tpu.memory_space<vmem>> -> memref<80xi32, #tpu.memory_space<vmem>>
        %dma_wait3A_83 = arith.constant 0 : i32
        %dma_wait3A_84 = arith.constant 0 : i32
        %dma_wait3A_85 = tpu.memref_slice %arg12[%dma_wait3A_83, %dma_wait3A_84] : memref<10000x128xf32, #tpu.memory_space<vmem_shared>> -> memref<10000x128xf32, #tpu.memory_space<vmem_shared>>
        tpu.wait_indirect_dma semaphore(%run_scoped3A_73 : memref<!tpu.dma_semaphore, #tpu.memory_space<semaphore_mem>>) src(%arg9 : memref<80x128xf32, #tpu.memory_space<vmem>>) dst(%dma_wait3A_85 : memref<10000x128xf32, #tpu.memory_space<vmem_shared>>)
        tpu.yield
      }) : () -> ()
    }
    %scan3A_40 = arith.constant 5 : i32
    %barrier3A_41 = arith.constant 0 : index
    tpu.barrier barrier_id(%barrier3A_41)
    %mul3A_42 = arith.constant 624 : i32
    %mul3A_43 = arith.muli %arg1, %mul3A_42 : i32
    %mul3A_44 = arith.constant 624 : i32
    %mul3A_45 = arith.muli %arg1, %mul3A_44 : i32
    "tpu.region"() ({
      %run_scoped3A_51 = tpu.sem_alloc : memref<!tpu.dma_semaphore, #tpu.memory_space<semaphore_mem>>
      %dma_start3A_52 = arith.constant 0 : i32
      %dma_start3A_53 = tpu.memref_slice %arg6[%arg0, %mul3A_45, %dma_start3A_52] : memref<2x10000x128xf32, #tpu.memory_space<hbm>> -> memref<1x624x128xf32, #tpu.memory_space<hbm>>
      %dma_start3A_54 = tpu.memref_squeeze %dma_start3A_53 : memref<1x624x128xf32, #tpu.memory_space<hbm>> -> memref<624x128xf32, #tpu.memory_space<hbm>>
      %dma_start3A_55 = arith.constant 0 : i32
      %dma_start3A_56 = tpu.memref_slice %arg12[%mul3A_43, %dma_start3A_55] : memref<10000x128xf32, #tpu.memory_space<vmem_shared>> -> memref<624x128xf32, #tpu.memory_space<vmem_shared>>
      tpu.enqueue_dma source(%dma_start3A_56 : memref<624x128xf32, #tpu.memory_space<vmem_shared>>) target(%dma_start3A_54 : memref<624x128xf32, #tpu.memory_space<hbm>>) target_semaphore(%run_scoped3A_51 : memref<!tpu.dma_semaphore, #tpu.memory_space<semaphore_mem>>)
      %dma_wait3A_57 = arith.constant 0 : i32
      %dma_wait3A_58 = tpu.memref_slice %arg6[%arg0, %mul3A_45, %dma_wait3A_57] : memref<2x10000x128xf32, #tpu.memory_space<hbm>> -> memref<1x624x128xf32, #tpu.memory_space<hbm>>
      %dma_wait3A_59 = tpu.memref_squeeze %dma_wait3A_58 : memref<1x624x128xf32, #tpu.memory_space<hbm>> -> memref<624x128xf32, #tpu.memory_space<hbm>>
      %dma_wait3A_60 = arith.constant 0 : i32
      %dma_wait3A_61 = tpu.memref_slice %arg12[%mul3A_43, %dma_wait3A_60] : memref<10000x128xf32, #tpu.memory_space<vmem_shared>> -> memref<624x128xf32, #tpu.memory_space<vmem_shared>>
      tpu.wait_dma2 semaphore(%run_scoped3A_51 : memref<!tpu.dma_semaphore, #tpu.memory_space<semaphore_mem>>) src(%dma_wait3A_61 : memref<624x128xf32, #tpu.memory_space<vmem_shared>>) dst(%dma_wait3A_59 : memref<624x128xf32, #tpu.memory_space<hbm>>)
      tpu.yield
    }) : () -> ()
    %eq3A_46 = arith.constant 15 : i32
    %eq3A_47 = arith.cmpi eq, %arg1, %eq3A_46 : i32
    %convert_element_type3A_48 = arith.extui %eq3A_47 : i1 to i32
    %cond3A_49 = arith.constant 0 : i32
    %cond3A_50 = arith.cmpi ne, %convert_element_type3A_48, %cond3A_49 : i32
    scf.if %cond3A_50 {
      "tpu.region"() ({
        %run_scoped3A_51 = tpu.sem_alloc : memref<!tpu.dma_semaphore, #tpu.memory_space<semaphore_mem>>
        %dma_start3A_52 = arith.constant 9984 : i32
        %dma_start3A_53 = arith.constant 0 : i32
        %dma_start3A_54 = tpu.memref_slice %arg6[%arg0, %dma_start3A_52, %dma_start3A_53] : memref<2x10000x128xf32, #tpu.memory_space<hbm>> -> memref<1x16x128xf32, #tpu.memory_space<hbm>>
        %dma_start3A_55 = tpu.memref_squeeze %dma_start3A_54 : memref<1x16x128xf32, #tpu.memory_space<hbm>> -> memref<16x128xf32, #tpu.memory_space<hbm>>
        %dma_start3A_56 = arith.constant 9984 : i32
        %dma_start3A_57 = arith.constant 0 : i32
        %dma_start3A_58 = tpu.memref_slice %arg12[%dma_start3A_56, %dma_start3A_57] : memref<10000x128xf32, #tpu.memory_space<vmem_shared>> -> memref<16x128xf32, #tpu.memory_space<vmem_shared>>
        tpu.enqueue_dma source(%dma_start3A_58 : memref<16x128xf32, #tpu.memory_space<vmem_shared>>) target(%dma_start3A_55 : memref<16x128xf32, #tpu.memory_space<hbm>>) target_semaphore(%run_scoped3A_51 : memref<!tpu.dma_semaphore, #tpu.memory_space<semaphore_mem>>)
        %dma_wait3A_59 = arith.constant 9984 : i32
        %dma_wait3A_60 = arith.constant 0 : i32
        %dma_wait3A_61 = tpu.memref_slice %arg6[%arg0, %dma_wait3A_59, %dma_wait3A_60] : memref<2x10000x128xf32, #tpu.memory_space<hbm>> -> memref<1x16x128xf32, #tpu.memory_space<hbm>>
        %dma_wait3A_62 = tpu.memref_squeeze %dma_wait3A_61 : memref<1x16x128xf32, #tpu.memory_space<hbm>> -> memref<16x128xf32, #tpu.memory_space<hbm>>
        %dma_wait3A_63 = arith.constant 9984 : i32
        %dma_wait3A_64 = arith.constant 0 : i32
        %dma_wait3A_65 = tpu.memref_slice %arg12[%dma_wait3A_63, %dma_wait3A_64] : memref<10000x128xf32, #tpu.memory_space<vmem_shared>> -> memref<16x128xf32, #tpu.memory_space<vmem_shared>>
        tpu.wait_dma2 semaphore(%run_scoped3A_51 : memref<!tpu.dma_semaphore, #tpu.memory_space<semaphore_mem>>) src(%dma_wait3A_65 : memref<16x128xf32, #tpu.memory_space<vmem_shared>>) dst(%dma_wait3A_62 : memref<16x128xf32, #tpu.memory_space<hbm>>)
        tpu.yield
      }) : () -> ()
    } else {
    }
    return
  }
}

module attributes {stable_mosaic.version = 14 : i64} {
  func.func @_tc_dense_body(%arg0: i32, %arg1: memref<2x2000x128xf32, #tpu.memory_space<vmem>>, %arg2: memref<1x1x2000xi32, #tpu.memory_space<vmem>>, %arg3: memref<128x128xf32, #tpu.memory_space<vmem>>, %arg4: memref<128x512xf32, #tpu.memory_space<vmem>>, %arg5: memref<64x512xf32, #tpu.memory_space<vmem>>) attributes {dimension_semantics = [#tpu.dimension_semantics<arbitrary>], iteration_bounds = array<i64: 5>, scalar_prefetch = 0 : i64, scratch_operands = 0 : i64, tpu.core_type = #tpu.core_type<tc>, window_params = [{transform_indices = @transform_0, window_bounds = array<i64: 2, 2000, 128>}, {transform_indices = @transform_1, window_bounds = array<i64: 1, 1, 2000>}, {pipeline_mode = #tpu.pipeline_mode<synchronous>, transform_indices = @transform_2, window_bounds = array<i64: 128, 128>}, {pipeline_mode = #tpu.pipeline_mode<synchronous>, transform_indices = @transform_3, window_bounds = array<i64: 128, 512>}, {pipeline_mode = #tpu.pipeline_mode<synchronous>, transform_indices = @transform_4, window_bounds = array<i64: 64, 512>}]} {
    %get3A = arith.constant 0 : index
    %get3A_0 = arith.constant 0 : index
    %get3A_1 = arith.constant 0 : index
    %get3A_2 = vector.load %arg1[%get3A, %get3A_0, %get3A_1] : memref<2x2000x128xf32, #tpu.memory_space<vmem>>, vector<1x2000x128xf32>
    %get3A_3 = vector.shape_cast %get3A_2 : vector<1x2000x128xf32> to vector<2000x128xf32>
    %get3A_4 = arith.constant 1 : index
    %get3A_5 = arith.constant 0 : index
    %get3A_6 = arith.constant 0 : index
    %get3A_7 = vector.load %arg1[%get3A_4, %get3A_5, %get3A_6] : memref<2x2000x128xf32, #tpu.memory_space<vmem>>, vector<1x2000x128xf32>
    %get3A_8 = vector.shape_cast %get3A_7 : vector<1x2000x128xf32> to vector<2000x128xf32>
    %add3A = arith.addf %get3A_3, %get3A_8 : vector<2000x128xf32>
    %convert_element_type3A = arith.truncf %add3A : vector<2000x128xf32> to vector<2000x128xbf16>
    %get3A_9 = arith.constant 0 : index
    %get3A_10 = arith.constant 0 : index
    %get3A_11 = vector.load %arg3[%get3A_9, %get3A_10] : memref<128x128xf32, #tpu.memory_space<vmem>>, vector<128x128xf32>
    %convert_element_type3A_12 = arith.truncf %get3A_11 : vector<128x128xf32> to vector<128x128xbf16>
    %dot_general3A = arith.constant dense<0.000000e+00> : vector<2000x128xf32>
    %dot_general3A_13 = tpu.matmul %convert_element_type3A, %convert_element_type3A_12, %dot_general3A {dimension_numbers = #tpu.dot_dimension_numbers<[1], [0], [0], [1], [0, 0, 1, 1], [], []>, transpose_lhs_hint = false} : vector<2000x128xbf16>, vector<128x128xbf16>, vector<2000x128xf32> -> vector<2000x128xf32>
    %logistic3A = arith.negf %dot_general3A_13 : vector<2000x128xf32>
    %logistic3A_14 = math.exp %logistic3A : vector<2000x128xf32>
    %logistic3A_15 = arith.constant 1.000000e+00 : f32
    %logistic3A_16 = vector.broadcast %logistic3A_15 : f32 to vector<2000x128xf32>
    %logistic3A_17 = arith.addf %logistic3A_16, %logistic3A_14 : vector<2000x128xf32>
    %logistic3A_18 = arith.divf %logistic3A_16, %logistic3A_17 : vector<2000x128xf32>
    %convert_element_type3A_19 = arith.truncf %logistic3A_18 : vector<2000x128xf32> to vector<2000x128xbf16>
    %get3A_20 = arith.constant 0 : index
    %get3A_21 = arith.constant 0 : index
    %get3A_22 = vector.load %arg4[%get3A_20, %get3A_21] : memref<128x512xf32, #tpu.memory_space<vmem>>, vector<128x512xf32>
    %convert_element_type3A_23 = arith.truncf %get3A_22 : vector<128x512xf32> to vector<128x512xbf16>
    %dot_general3A_24 = arith.constant dense<0.000000e+00> : vector<2000x512xf32>
    %dot_general3A_25 = tpu.matmul %convert_element_type3A_19, %convert_element_type3A_23, %dot_general3A_24 {dimension_numbers = #tpu.dot_dimension_numbers<[1], [0], [0], [1], [0, 0, 1, 1], [], []>, transpose_lhs_hint = false} : vector<2000x128xbf16>, vector<128x512xbf16>, vector<2000x512xf32> -> vector<2000x512xf32>
    %reduce_max3A = arith.constant dense<0xFF800000> : vector<2000xf32>
    %reduce_max3A_26 = vector.multi_reduction <maximumf>, %dot_general3A_25, %reduce_max3A [1] : vector<2000x512xf32> to vector<2000xf32>
    %broadcast_in_dim3A = vector.shape_cast %reduce_max3A_26 : vector<2000xf32> to vector<2000x1xf32>
    %sub3A = vector.broadcast %broadcast_in_dim3A : vector<2000x1xf32> to vector<2000x512xf32>
    %sub3A_27 = arith.subf %dot_general3A_25, %sub3A : vector<2000x512xf32>
    %exp3A = math.exp %sub3A_27 : vector<2000x512xf32>
    %reduce_sum3A = arith.constant dense<0.000000e+00> : vector<2000xf32>
    %reduce_sum3A_28 = vector.multi_reduction <add>, %exp3A, %reduce_sum3A [1] : vector<2000x512xf32> to vector<2000xf32>
    %broadcast_in_dim3A_29 = vector.shape_cast %reduce_sum3A_28 : vector<2000xf32> to vector<2000x1xf32>
    %div3A = vector.broadcast %broadcast_in_dim3A_29 : vector<2000x1xf32> to vector<2000x512xf32>
    %div3A_30 = arith.divf %exp3A, %div3A : vector<2000x512xf32>
    %iota3A = tpu.iota {dimensions = array<i32: 0>} : vector<64x2000xi32>
    %get3A_31 = arith.constant 0 : index
    %get3A_32 = arith.constant 0 : index
    %get3A_33 = arith.constant 0 : index
    %get3A_34 = vector.load %arg2[%get3A_31, %get3A_32, %get3A_33] : memref<1x1x2000xi32, #tpu.memory_space<vmem>>, vector<1x1x2000xi32>
    %get3A_35 = vector.shape_cast %get3A_34 : vector<1x1x2000xi32> to vector<1x2000xi32>
    %eq3A = vector.broadcast %get3A_35 : vector<1x2000xi32> to vector<64x2000xi32>
    %eq3A_36 = arith.cmpi eq, %iota3A, %eq3A : vector<64x2000xi32>
    %convert_element_type3A_37 = arith.extui %eq3A_36 : vector<64x2000xi1> to vector<64x2000xi32>
    %convert_element_type3A_38 = arith.sitofp %convert_element_type3A_37 : vector<64x2000xi32> to vector<64x2000xf32>
    %convert_element_type3A_39 = arith.truncf %convert_element_type3A_38 : vector<64x2000xf32> to vector<64x2000xbf16>
    %convert_element_type3A_40 = arith.truncf %div3A_30 : vector<2000x512xf32> to vector<2000x512xbf16>
    %dot_general3A_41 = arith.constant dense<0.000000e+00> : vector<64x512xf32>
    %dot_general3A_42 = tpu.matmul %convert_element_type3A_39, %convert_element_type3A_40, %dot_general3A_41 {dimension_numbers = #tpu.dot_dimension_numbers<[1], [0], [0], [1], [0, 0, 1, 1], [], []>, transpose_lhs_hint = false} : vector<64x2000xbf16>, vector<2000x512xbf16>, vector<64x512xf32> -> vector<64x512xf32>
    %eq3A_43 = arith.constant 0 : i32
    %eq3A_44 = arith.cmpi eq, %arg0, %eq3A_43 : i32
    %convert_element_type3A_45 = arith.extui %eq3A_44 : i1 to i32
    %cond3A = arith.constant 0 : i32
    %cond3A_46 = arith.cmpi ne, %convert_element_type3A_45, %cond3A : i32
    scf.if %cond3A_46 {
      %broadcast_in_dim3A_53 = arith.constant 0.000000e+00 : f32
      %broadcast_in_dim3A_54 = vector.broadcast %broadcast_in_dim3A_53 : f32 to vector<64x512xf32>
      %swap3A_55 = arith.constant 0 : index
      %swap3A_56 = arith.constant 0 : index
      %swap3A_57 = vector.load %arg5[%swap3A_55, %swap3A_56] : memref<64x512xf32, #tpu.memory_space<vmem>>, vector<64x512xf32>
      tpu.vector_store %arg5[%swap3A_55, %swap3A_56], %broadcast_in_dim3A_54 {strides = array<i32>} : memref<64x512xf32, #tpu.memory_space<vmem>>, vector<64x512xf32>,
    } else {
    }
    %get3A_47 = arith.constant 0 : index
    %get3A_48 = arith.constant 0 : index
    %get3A_49 = vector.load %arg5[%get3A_47, %get3A_48] : memref<64x512xf32, #tpu.memory_space<vmem>>, vector<64x512xf32>
    %add3A_50 = arith.addf %get3A_49, %dot_general3A_42 : vector<64x512xf32>
    %swap3A = arith.constant 0 : index
    %swap3A_51 = arith.constant 0 : index
    %swap3A_52 = vector.load %arg5[%swap3A, %swap3A_51] : memref<64x512xf32, #tpu.memory_space<vmem>>, vector<64x512xf32>
    tpu.vector_store %arg5[%swap3A, %swap3A_51], %add3A_50 {strides = array<i32>} : memref<64x512xf32, #tpu.memory_space<vmem>>, vector<64x512xf32>,
    return
  }
  func.func @transform_0(%arg0: i32) -> (i32, i32, i32) {
    %c0_i32 = arith.constant 0 : i32
    %c0_i32_0 = arith.constant 0 : i32
    %c0_i32_1 = arith.constant 0 : i32
    return %c0_i32, %arg0, %c0_i32_0 : i32, i32, i32
  }
  func.func @transform_1(%arg0: i32) -> (i32, i32, i32) {
    %c0_i32 = arith.constant 0 : i32
    %c0_i32_0 = arith.constant 0 : i32
    %c0_i32_1 = arith.constant 0 : i32
    return %arg0, %c0_i32, %c0_i32_0 : i32, i32, i32
  }
  func.func @transform_2(%arg0: i32) -> (i32, i32) {
    %c0_i32 = arith.constant 0 : i32
    %c0_i32_0 = arith.constant 0 : i32
    %c0_i32_1 = arith.constant 0 : i32
    return %c0_i32, %c0_i32_0 : i32, i32
  }
  func.func @transform_3(%arg0: i32) -> (i32, i32) {
    %c0_i32 = arith.constant 0 : i32
    %c0_i32_0 = arith.constant 0 : i32
    %c0_i32_1 = arith.constant 0 : i32
    return %c0_i32, %c0_i32_0 : i32, i32
  }
  func.func @transform_4(%arg0: i32) -> (i32, i32) {
    %c0_i32 = arith.constant 0 : i32
    %c0_i32_0 = arith.constant 0 : i32
    %c0_i32_1 = arith.constant 0 : i32
    return %c0_i32, %c0_i32_0 : i32, i32
  }
}

</mosaic_0001>

<sc_bundles>
// kernel: kernel.4.cloned.1.call-start
scs
__scs_entry_jumppad:
0x0: {  	(pc) =	sbr.rel $0x88, $3  }
0x1: {  	(tag) =	ssettag $0x0;
	lr =	simm.s32 $0x1  }
0x2: {  	[smem:$0x3F9C] =	sst lr;
	_ =	strace $0xD0000000  }
0x3: {  	_ = 	snop  }
0x4: {  	_ = 	snop  }
0x5: {  	_ = 	snop  }
0x6: {  	_ = 	snop  }
0x7: {  	_ = 	snop  }
__scs_overlays_trampoline_lowered:
0x8: {  	[smem:$0x3FAB] =	sst s0  }
0x9: {  	[smem:$0x3FAC] =	sst s1  }
0xa: {  	[smem:$0x3FAD] =	sst s2  }
0xb: {  	[smem:$0x3FAE] =	sst s3  }
0xc: {  	[smem:$0x3FAF] =	sst s4  }
0xd: {  	[smem:$0x3FB0] =	sst s5  }
0xe: {  	[smem:$0x3FB1] =	sst s6  }
0xf: {  	[smem:$0x3FB2] =	sst s7  }
0x10: {  	[smem:$0x3FB3] =	sst s8  }
0x11: {  	[smem:$0x3FB4] =	sst s9;
	s0 =	simm.s32 @!p0 $0x0  }
0x12: {  	s1 =	sld [smem:$0x3F9A];
	s0 =	simm.s32 @p0 $0x1  }
0x13: {  	[smem:$0x3FB5] =	sst s0;
	s0 =	simm.s32 @!p1 $0x0  }
0x14: {  	s2 =	sld [smem:$0x3F99];
	s0 =	simm.s32 @p1 $0x1  }
0x15: {  	[smem:$0x3FB6] =	sst s0;
	s0 =	simm.s32 @!p2 $0x0  }
0x16: {  	s3 =	sld [smem:$0x3FDB];
	s0 =	simm.s32 @p2 $0x1  }
0x17: {  	s4 =	simm.s32 $0x1BF5;
	[smem:$0x3FB8] =	sst s0  }
0x18: {  	s0 =	sld [smem:$0x3F9B];
	_ =	swait.ge [sflag:s4], $0x0  }
0x19: {  	s7 =	sld [smem:$0x3F9C]  }
0x1a: {  	s8 =	sadd.s32 $0xFFFFE003, lr  }
0x1b: {  	s9 =	sadd.s32 $0xFFFFFEF7, lr;
	s5 =	simm.s32 $0xFFFFFFFF;
	p2 =	slt.u32 s8, $0xFFFFF086  }
0x1c: {  	p1 =	slt.u32 s9, $0xF7A;
	s5 =	simm.s32 @!p2 $0x0  }
0x1d: {  	s5 =	simm.s32 @p1 $0x1;
	p0 =	seq.s32 s7, s2  }
0x1e: {  	s7 =	smul.u32 @!p0 $0xF7A, s2;
	p2 =	seq.s32 @!p0 s5, $0x0  }
0x1f: {  	s9 =	smul.u32 $0xF7A, s1;
	s8 =	simm.s32 @!p0 $0x1BF5;
	p2 =	por !p2, p0  }
0x20: {  	[sflag:s8] =	ssyncset.s32 @!p0 $0xFFFFF086;
	s6 =	sadd.s32 @!p0 s3, s7;
	s7 =	simm.s32 @!p0 $0x108  }
0x21: {  	s3 =	sadd.s32 s3, s9;
	s6 =	sadd.s32 @!p0 $0x88, s6;
	s7 =	simm.s32 @p2 $0x1082  }
0x22: {  	[simem:s7], [sflag:s8] =	dma.local @!p0 [hbm:s6], $0xF7A  }
0x23: {  	s9 =	sor.u32 $0xD0000000, s2;
	s6 =	simm.s32 $0x108;
	_ =	swait.ge @!p0 [sflag:s8], $0x0  }
0x24: {  	s3 =	sadd.s32 $0x88, s3;
	s6 =	simm.s32 @!p1 $0x1082;
	[sflag:s4] =	ssyncset.s32 $0xFFFFF086  }
0x25: {  	[simem:s6], [sflag:s4] =	dma.local [hbm:s3], $0xF7A  }
0x26: {  	[smem:$0x3F9C] =	sst s1;
	(tag) =	ssettag s2;
	_ =	strace s9  }
0x27: {  	s1 =	sld [smem:$0x3FAC]  }
0x28: {  	s2 =	sld [smem:$0x3FAD]  }
0x29: {  	s4 =	sld [smem:$0x3FAF]  }
0x2a: {  	p0 =	seq.s32 s5, $0x0;
	s5 =	sld [smem:$0x3FB0]  }
0x2b: {  	s6 =	sld [smem:$0x3FB1]  }
0x2c: {  	s7 =	sld [smem:$0x3FB2]  }
0x2d: {  	s3 =	simm.s32 $0x108;
	s8 =	sld [smem:$0x3FB3]  }
0x2e: {  	s3 =	simm.s32 @!p0 $0x1082;
	s9 =	sld [smem:$0x3FB4]  }
0x2f: {  	lr =	sadd.s32 s0, s3;
	s0 =	sld [smem:$0x3FAB]  }
0x30: {  	s3 =	sld [smem:$0x3FAE]  }
0x31: {  	[smem:$0x3FB7] =	sst s10  }
0x32: {  	s10 =	sld [smem:$0x3FB5];
	_ =	sdelay $0x3  }
0x33: {  	p0 =	seq.s32 s10, $0x1;
	s10 =	sld [smem:$0x3FB7];
	_ =	sdelay $0x3  }
0x34: {  	[smem:$0x3FB7] =	sst s10  }
0x35: {  	s10 =	sld [smem:$0x3FB6];
	_ =	sdelay $0x3  }
0x36: {  	p1 =	seq.s32 s10, $0x1;
	s10 =	sld [smem:$0x3FB7];
	_ =	sdelay $0x3  }
0x37: {  	[smem:$0x3FB7] =	sst s10  }
0x38: {  	s10 =	sld [smem:$0x3FB8]  }
0x39: {  	_ = 	snop;
	(pc) =	sbr.ind lr, $3  }
0x3a: {  	_ = 	snop  }
0x3b: {  	_ = 	snop  }
0x3c: {  	p2 =	seq.s32 s10, $0x1;
	s10 =	sld [smem:$0x3FB7]  }
0x3d: {  	_ =	shalt  }
0x3e: {  	_ =	shalt  }
0x3f: {  	_ =	shalt  }
0x40: {  	_ =	shalt  }
0x41: {  	_ =	shalt  }
0x42: {  	_ =	shalt  }
0x43: {  	_ =	shalt  }
0x44: {  	_ =	shalt  }
0x45: {  	_ =	shalt  }
0x46: {  	_ =	shalt  }
0x47: {  	_ =	shalt  }
0x48: {  	_ =	shalt  }
0x49: {  	_ =	shalt  }
0x4a: {  	_ =	shalt  }
0x4b: {  	_ =	shalt  }
0x4c: {  	_ =	shalt  }
0x4d: {  	_ =	shalt  }
0x4e: {  	_ =	shalt  }
0x4f: {  	_ =	shalt  }
0x50: {  	_ =	shalt  }
0x51: {  	_ =	shalt  }
0x52: {  	_ =	shalt  }
0x53: {  	_ =	shalt  }
0x54: {  	_ =	shalt  }
0x55: {  	_ =	shalt  }
0x56: {  	_ =	shalt  }
0x57: {  	_ =	shalt  }
0x58: {  	_ =	shalt  }
0x59: {  	_ =	shalt  }
0x5a: {  	_ =	shalt  }
0x5b: {  	_ =	shalt  }
0x5c: {  	_ =	shalt  }
0x5d: {  	_ =	shalt  }
0x5e: {  	_ =	shalt  }
0x5f: {  	_ =	shalt  }
0x60: {  	_ =	shalt  }
0x61: {  	_ =	shalt  }
0x62: {  	_ =	shalt  }
0x63: {  	_ =	shalt  }
0x64: {  	_ =	shalt  }
0x65: {  	_ =	shalt  }
0x66: {  	_ =	shalt  }
0x67: {  	_ =	shalt  }
0x68: {  	_ =	shalt  }
0x69: {  	_ =	shalt  }
0x6a: {  	_ =	shalt  }
0x6b: {  	_ =	shalt  }
0x6c: {  	_ =	shalt  }
0x6d: {  	_ =	shalt  }
0x6e: {  	_ =	shalt  }
0x6f: {  	_ =	shalt  }
0x70: {  	_ =	shalt  }
0x71: {  	_ =	shalt  }
0x72: {  	_ =	shalt  }
0x73: {  	_ =	shalt  }
0x74: {  	_ =	shalt  }
0x75: {  	_ =	shalt  }
0x76: {  	_ =	shalt  }
0x77: {  	_ =	shalt  }
0x78: {  	_ =	shalt  }
0x79: {  	_ =	shalt  }
0x7a: {  	_ =	shalt  }
0x7b: {  	_ =	shalt  }
0x7c: {  	_ =	shalt  }
0x7d: {  	_ =	shalt  }
0x7e: {  	_ =	shalt  }
0x7f: {  	_ =	shalt  }
0x80: {  	_ =	shalt  }
0x81: {  	_ =	shalt  }
0x82: {  	_ =	shalt  }
0x83: {  	_ =	shalt  }
0x84: {  	_ =	shalt  }
0x85: {  	_ =	shalt  }
0x86: {  	_ =	shalt  }
0x87: {  	_ =	shalt  }
.Lfunc_end0:
.L_simem_size_0:
called_computation_lowered:
.L_overlay_start_0:
0x88: {  	s2 =	sld [smem:$0x3FD9]  }
0x89: {  	s3 =	sld [smem:$0x3FFE];
	_ =	sdelay $0x1  }
0x8a: {  	s1 =	srdreg.scid  }
0x8b: {  	s0 =	sand.u32 $0x1, s1  }
0x8c: {  	s17 =	sshll.u32 s0, $0xA;
	s2 =	sadd.s32 s3, s2  }
0x8d: {  	s2 =	sadd.s32 s2, s17  }
0x8e: {  	[smem:$0x3FC3] =	sst s2  }
0x8f: {  	_ = 	snop  }
0x90: {  	s2 =	sld [smem:$0x3FC9];
	(tm) =	ssettm $0x1  }
0x91: {  	s18 =	sld [smem:$0x3FFB];
	_ =	sdelay $0x3  }
0x92: {  	_ =	strace s18  }
0x93: {  	s3 =	sld [smem:$0x3FFC];
	_ =	sdelay $0x3  }
0x94: {  	_ =	strace s3  }
0x95: {  	s3 =	sld [smem:$0x3FFD];
	_ =	sdelay $0x3  }
0x96: {  	_ =	strace s3  }
0x97: {  	_ =	strace $0x8FFFFFFF  }
0x98: {  	s19 =	sld [smem:$0x3FDB];
	_ =	sdelay $0x1  }
0x99: {  	s4 =	simm.s32 $_scs_section_size  }
0x9a: {  	s5 =	simm.s32 $_size__tile_overlayer_lowered;
	s6 =	simm.s32 $_tile_overlayer_lowered  }
0x9b: {  	s22 =	simm.s32 $0x1BFF;
	s21 =	sshll.u32 s6, $0x1;
	s3 =	sadd.s32 s4, s19  }
0x9c: {  	s7 =	simm.s32 $0x0;
	s20 =	sshll.u32 s5, $0x1;
	s5 =	sadd.s32 s21, s3  }
0x9d: {  	[timem:s7], [sflag:s22] =	dma.local [hbm:s5], s20  }
0x9e: {  	_ =	swait.ge [sflag:s22], s20  }
0x9f: {  	s4 =	ssub.s32 $0x0, s20;
	[sflag:s22] =	ssyncset.done $0x0  }
0xa0: {  	[sflag:s22] =	ssyncadd.s32 s4;
	_ =	sdelay $0x1  }
0xa1: {  	s23 =	simm.s32 $0x1B8B  }
0xa2: {  	_ =	swait.ge [sflag:s23], $0x1  }
0xa3: {  	[sflag:s23] =	ssyncset.done $0x0  }
0xa4: {  	s25 =	simm.s32 $0x1B8E;
	s24 =	sld [smem:$0x3FFE];
	[sflag:s23] =	ssyncadd.s32 $0xFFFFFFFF  }
0xa5: {  	s26 =	simm.s32 $execute0_lowered;
	[smem:$0x3FD2] =	sst s25  }
0xa6: {  	s5 =	sshll.u32 s26, $0x1;
	_ =	strace $0x80000046;
	[dreg:$0x1] =	wrdreg $0xFFFFFFFF  }
0xa7: {  	s28 =	simm.s32 $_size_execute0_lowered;
	s3 =	sadd.s32 s3, s5;
	[dreg:$0x0] =	wrdreg $0x0  }
0xa8: {  	s5 =	sshll.u32 s28, $0x1;
	[dreg:$0x2] =	wrdreg s3  }
0xa9: {  	[dreg:$0x3] =	wrdreg s5  }
0xaa: {  	[dreg:$0x4] =	wrdreg $0xC0  }
0xab: {  	_ =	task [dreg:s7], $0x5FFFF  }
0xac: {  	[dreg:$0x1] =	wrdreg $0xFFFFFFFF  }
0xad: {  	[dreg:$0x0] =	wrdreg $0x60  }
0xae: {  	[dreg:$0x2] =	wrdreg s2  }
0xaf: {  	[dreg:$0x3] =	wrdreg s24  }
0xb0: {  	[dreg:$0x4] =	wrdreg $0x87A00  }
0xb1: {  	[dreg:$0x5] =	wrdreg $0x9  }
0xb2: {  	_ =	task.clear_ibuf [dreg:s7], $0x6FFFF;
	_ =	strace $0x90000046  }
0xb3: {  	s29 =	simm.s32 $0x9;
	_ =	strace $0x80000048  }
0xb4: {  	_ =	swait.ge [sflag:s29], $0x1  }
0xb5: {  	[sflag:s29] =	ssyncadd.s32 $0xFFFFFFFF  }
0xb6: {  	_ =	strace $0x90000048  }
0xb7: {  	_ =	sfence  }
0xb8: {  	s30 =	sld [smem:$0x0];
	_ =	sdelay $0x2  }
0xb9: {  	s31 =	sshll.u32 s1, $0xD;
	s1 =	sshrl.u32 s1, $0x2  }
0xba: {  	s3 =	sand.u32 $0x4000, s31;
	s1 =	sadd.s32 s1, s30  }
0xbb: {  	s0 =	sor.u32 s3, s0;
	s1 =	sshll.u32 s1, $0x11  }
0xbc: {  	s0 =	sor.u32 s1, s0  }
0xbd: {  	s0 =	sadd.s32 $0x8F2B, s0  }
0xbe: {  	[sflag:s0] =	ssyncadd.remote.s32 $0x1  }
0xbf: {  	_ =	sfence.sel $0xFFFF  }
0xc0: {  	[dreg:$0x0] =	wrdreg $0xFFFFFFFF;
	(pc) =	sbr.abs _section_cstart, $3  }
0xc1: {  	[dreg:$0x1] =	wrdreg $0xFFFFFFFF  }
0xc2: {  	_ =	task.clear_ibuf [dreg:s7], $0x2FFFF;
	_ =	strace $0x9FFFFFFF  }
0xc3: {  	(tm) =	ssettm $0x7FFFFFFF  }
tec
execute0_lowered:
.L_overlay_start_1:
0x0: {  	(tag) =	ssettag $0x1  }
0x1: {  	s1 =	rddreg [dreg:$0x0]  }
0x2: {  	s0 =	rddreg [dreg:$0x1]  }
0x3: {  	s2 =	rddreg [dreg:$0x2];
	s4 =	simm.s32 $0x0  }
0x4: {  	[smem:$0x7FF] =	sst s4;
	s12 =	sadd.s32 $0x14000, s0  }
0x5: {  	s15 =	simm.s32 $0xF0;
	_ =	strace $0x80000047;
	[smem:$0x7EA] =	sst s12  }
0x6: {  	s16 =	simm.s32 $0x820;
	[dreg:$0x6] =	wrdreg s15  }
0x7: {  	s17 =	simm.s32 $0x140;
	[dreg:$0x7] =	wrdreg s16  }
0x8: {  	s18 =	simm.s32 $0x870;
	[dreg:$0x8] =	wrdreg s17  }
0x9: {  	s3 =	srdreg.scid;
	s20 =	simm.s32 $0x190;
	[dreg:$0x9] =	wrdreg s18  }
0xa: {  	s5 =	stileid.u32;
	s21 =	simm.s32 $0x8C0;
	[dreg:$0xa] =	wrdreg s20  }
0xb: {  	s22 =	simm.s32 $0x1E0;
	s23 =	sadd.s32 $0x27000, s1;
	[dreg:$0xb] =	wrdreg s21  }
0xc: {  	s24 =	simm.s32 $0x910;
	s25 =	simm.s32 $0x230;
	[smem:$0x7EC] =	sst s23  }
0xd: {  	s26 =	simm.s32 $0x960;
	s28 =	simm.s32 $0x2;
	[dreg:$0xc] =	wrdreg s22  }
0xe: {  	s29 =	simm.s32 $0x3;
	s30 =	simm.s32 $0x690;
	[dreg:$0xd] =	wrdreg s24  }
0xf: {  	s31 =	simm.s32 $0xDC0;
	s3 =	sand.u32 $0x1, s3;
	[dreg:$0xe] =	wrdreg s25  }
0x10: {  	s7 =	smul.u32 $0x2710, s5;
	s4 =	simm.s32 $0x280;
	[dreg:$0xf] =	wrdreg s26  }
0x11: {  	s9 =	sadd.s32 $0xA200, s0;
	[dreg:$0x10] =	wrdreg s4;
	s15 =	simm.s32 $0x9B0  }
0x12: {  	s10 =	sadd.s32 $0x400, s0;
	s17 =	simm.s32 $0x2D0;
	[dreg:$0x11] =	wrdreg s15  }
0x13: {  	p3 =	sne.s32 s5, $0xF;
	s18 =	simm.s32 $0xA00;
	[dreg:$0x12] =	wrdreg s17  }
0x14: {  	s6 =	smul.u32 $0x27100, s3;
	s20 =	simm.s32 $0x320;
	[dreg:$0x13] =	wrdreg s18  }
0x15: {  	s8 =	ssub.s32 $0x2, s3;
	s22 =	simm.s32 $0xA50;
	[dreg:$0x14] =	wrdreg s20  }
0x16: {  	s14 =	sshll.u32 s3, $0x4;
	s23 =	simm.s32 $0x370;
	[dreg:$0x15] =	wrdreg s22  }
0x17: {  	p0 =	seq.s32 s3, $0x1;
	s25 =	simm.s32 $0xAA0;
	[dreg:$0x16] =	wrdreg s23  }
0x18: {  	s3 =	smul.u32 $0x138800, s3;
	s26 =	simm.s32 $0x3C0;
	[dreg:$0x17] =	wrdreg s25  }
0x19: {  	s4 =	simm.s32 $0xAF0;
	s13 =	sshrl.u32 s8, $0x1;
	[dreg:$0x18] =	wrdreg s26  }
0x1a: {  	s12 =	sor.u32 s5, s14;
	s14 =	smul.u32 $0x4E000, s5;
	[dreg:$0x19] =	wrdreg s4  }
0x1b: {  	p1 =	sne.s32 @p0 s5, $0xF;
	s17 =	simm.s32 $0x500;
	s18 =	simm.s32 $0xC30  }
0x1c: {  	p2 =	sne.s32 @!p0 s5, $0xF;
	s20 =	simm.s32 $0xC80;
	s22 =	simm.s32 $0xCD0  }
0x1d: {  	s23 =	simm.s32 $0x5F0;
	s25 =	simm.s32 $0x640;
	[smem:$0x7F4] =	sst s17  }
0x1e: {  	s26 =	simm.s32 $0xD70;
	s6 =	sadd.s32 s7, s6;
	[smem:$0x7F5] =	sst s18  }
0x1f: {  	s7 =	sadd.s32 $0x16800, s0;
	s0 =	ssub.s32 s8, s13;
	[smem:$0x7F7] =	sst s20  }
0x20: {  	s8 =	sadd.s32 $0x138000, s2;
	s12 =	smul.u32 $0x2710, s12;
	[smem:$0x7F9] =	sst s22  }
0x21: {  	p1 =	por p1, !p0;
	p2 =	por p2, p0;
	[smem:$0x7FA] =	sst s23  }
0x22: {  	s18 =	simm.s32 $0x5;
	s20 =	simm.s32 $0x50;
	[smem:$0x7FC] =	sst s25  }
0x23: {  	s22 =	simm.s32 $0x37A0;
	[smem:$0x7FD] =	sst s26;
	s26 =	simm.s32 $0x1  }
0x24: {  	s23 =	simm.s32 $0xE10;
	s6 =	sshrl.u32 s6, $0x3;
	s0 =	smax.u32 s0, $0x1  }
0x25: {  	s14 =	sshrl.u32 s14, $0x2;
	s11 =	sadd.s32 s6, s10;
	[smem:$0x7F1] =	sst s0  }
0x26: {  	s6 =	sadd.s32 s6, s9;
	s12 =	sshrl.u32 s12, $0x3;
	[dreg:$0x4] =	wrdreg s11  }
0x27: {  	s14 =	sadd.s32 s14, s2;
	[dreg:$0x5] =	wrdreg s6;
	s16 =	sadd.s32 s9, s12  }
0x28: {  	s11 =	smul.u32 $0x13800, s5;
	s9 =	simm.s32 $0x410;
	[smem:$0x7ED] =	sst s16  }
0x29: {  	s0 =	simm.s32 $0x6E0;
	[dreg:$0x1a] =	wrdreg s9;
	s16 =	simm.s32 $0xBE0  }
0x2a: {  	s9 =	simm.s32 $0xE60;
	s6 =	sadd.s32 s11, s2;
	s13 =	sshrl.u32 s11, $0x3  }
0x2b: {  	s21 =	sadd.s32 s11, s3;
	s11 =	simm.s32 $0x460;
	[dreg:$0x1f] =	wrdreg s16  }
0x2c: {  	s3 =	sshrl.u32 s3, $0x3;
	s19 =	sadd.s32 s1, s13;
	[dreg:$0x1c] =	wrdreg s11  }
0x2d: {  	s3 =	sadd.s32 s7, s3;
	s13 =	simm.s32 $0x4B0;
	[smem:$0x7EB] =	sst s19  }
0x2e: {  	s11 =	simm.s32 $0xEB0;
	s19 =	sadd.s32 s10, s12;
	[dreg:$0x1e] =	wrdreg s13  }
0x2f: {  	s10 =	sshrl.u32 s21, $0x3;
	s3 =	sadd.s32 $0x27000, s3;
	[smem:$0x7EE] =	sst s19  }
0x30: {  	s12 =	simm.s32 $0xB90;
	s21 =	simm.s32 $0x5A0;
	[smem:$0x7F0] =	sst s3  }
0x31: {  	s13 =	simm.s32 $0xF50;
	s24 =	sadd.s32 s7, s10;
	[dreg:$0x1d] =	wrdreg s12  }
0x32: {  	s10 =	simm.s32 $0xB40;
	s3 =	sshll.u32 @p0 s5, $0x6;
	[smem:$0x7F8] =	sst s21  }
0x33: {  	s19 =	simm.s32 $0x550;
	s21 =	simm.s32 $0xFA0;
	[smem:$0x7EF] =	sst s24  }
0x34: {  	s7 =	simm.s32 $0x730;
	s12 =	simm.s32 $0xF00;
	[dreg:$0x1b] =	wrdreg s10  }
0x35: {  	s15 =	sor.u32 @p0 $0x1C04, s3;
	s3 =	sshrl.u32 @p0 s14, $0x3;
	[smem:$0x7F6] =	sst s19  }
0x36: {  	s19 =	simm.s32 $0x7D0;
	s24 =	simm.s32 $0xD20;
	[smem:$0x7F2] =	sst s3  }
0x37: {  	s10 =	simm.s32 $0x780;
	s3 =	sshrl.u32 @!p1 s8, $0x3;
	[smem:$0x7FB] =	sst s24  }
0x38: {  	s14 =	simm.s32 $0x0;
	s24 =	simm.s32 $0x5FA0;
	[smem:$0x7F3] =	sst s3  }
.LBB2_1:
0x39: {  	s3 =	sld [smem:$0x7EA]  }
0x3a: {  	s4 =	sld [smem:$0x7F2];
	_ =	sdelay $0x2  }
0x3b: {  	[spmem:s4], [sflag:s15] =	dma.local @p0 [hbm:s3], $0x2700  }
0x3c: {  	s4 =	sld [smem:$0x7F3];
	_ =	sdelay $0x2  }
0x3d: {  	[spmem:s4], [sflag:s15] =	dma.local @!p1 [hbm:s3], $0x100  }
0x3e: {  	s4 =	sld [smem:$0x7EB]  }
0x3f: {  	s3 =	sshll.u32 @!p0 s5, $0x6  }
0x40: {  	s16 =	sshrl.u32 @!p0 s6, $0x3;
	s3 =	sor.u32 @!p0 $0x1C04, s3  }
0x41: {  	[spmem:s16], [sflag:s3] =	dma.local @!p0 [hbm:s4], $0x2700  }
0x42: {  	s4 =	sld [smem:$0x7EC];
	_ =	sdelay $0x1  }
0x43: {  	s16 =	sshrl.u32 @!p2 s8, $0x3  }
0x44: {  	[spmem:s16], [sflag:s3] =	dma.local @!p2 [hbm:s4], $0x100  }
0x45: {  	s4 =	sld [smem:$0x7ED];
	_ =	sdelay $0x1  }
0x46: {  	s25 =	simm.s32 $0x0  }
0x47: {  	[tilespmem:s25], [sflag:$0x5] =	stream.linear.gather [hbm4b:s4+s25], $0x7D0, $0x38;
	[tilespmem:$0x1C020] =	vst v63  }
0x48: {  	_ =	swait.ge [sflag:s18], $0x7D0  }
0x49: {  	s5 =	sld [smem:$0x7EE]  }
0x4a: {  	[sflag:s18] =	ssyncset.done $0x0  }
0x4b: {  	[sflag:s18] =	ssyncadd.s32 $0xFFFFF830  }
0x4c: {  	[tilespmem:s19], [sflag:$0x5] =	stream.linear.gather [hbm4b:s5+s25], $0x7D0, $0x38;
	[tilespmem:$0x1C020] =	vst v63  }
0x4d: {  	_ =	swait.ge [sflag:s18], $0x7D0  }
0x4e: {  	[sflag:s18] =	ssyncset.done $0x0  }
0x4f: {  	[sflag:s18] =	ssyncadd.s32 $0xFFFFF830  }
0x50: {  	[tilespmem:s21], [sflag:$0x1] =	stream.indirect.gather [hbm4b:s1+s20], $0x80, s25, s20, $0xb8;
	[tilespmem:$0x1C020] =	vst v63  }
0x51: {  	_ = 	snop  }
0x52: {  	[tilespmem:s22], [sflag:$0x2] =	stream.indirect.gather [hbm4b:s1+s20], $0x80, s20, s20, $0xb8;
	[tilespmem:$0x1C020] =	vst v63  }
0x53: {  	s17 =	simm.s32 $0x4;
	s16 =	simm.s32 $0xA0  }
0x54: {  	[tilespmem:s24], [sflag:$0x3] =	stream.indirect.gather [hbm4b:s1+s20], $0x80, s16, s20, $0xb8;
	[tilespmem:$0x1C020] =	vst v63  }
0x55: {  	_ =	swait.ge [sflag:s17], $0x2700  }
0x56: {  	[sflag:s17] =	ssyncset.done $0x0  }
0x57: {  	s3 =	simm.s32 @!p3 $0x4;
	[sflag:s17] =	ssyncadd.s32 $0xFFFFD900  }
0x58: {  	_ =	swait.ge @!p3 [sflag:s3], $0x100  }
0x59: {  	[sflag:s3] =	ssyncset.done @!p3 $0x0  }
0x5a: {  	[sflag:s3] =	ssyncadd.s32 @!p3 $0xFFFFFF00  }
0x5b: {  	[bflag:$0x0] =	sbarrier.arrive $0xFFFF  }
0x5c: {  	p4 =	por $0x1, $0x1;
	s3 =	rddreg [dreg:$0x5]  }
0x5d: {  	s16 =	simm.s32 @!p4 $0x0;
	s17 =	simm.s32 @!p4 $0x5;
	s3 =	sadd.s32 @!p4 $0x0, s3  }
0x5e: {  	[tilespmem:s16], [sflag:$0x5] =	stream.linear.gather @!p4 [hbm4b:s3+s16], $0x7D0, $0x38;
	[tilespmem:$0x1C020] =	vst v63  }
0x5f: {  	_ =	swait.ge @!p4 [sflag:s17], $0x7D0  }
0x60: {  	s3 =	rddreg [dreg:$0x4];
	[sflag:s17] =	ssyncset.done @!p4 $0x0  }
0x61: {  	s4 =	simm.s32 @!p4 $0x7D0;
	[sflag:s17] =	ssyncadd.s32 @!p4 $0xFFFFF830;
	s3 =	sadd.s32 @!p4 $0x0, s3  }
0x62: {  	[tilespmem:s4], [sflag:$0x5] =	stream.linear.gather @!p4 [hbm4b:s3+s16], $0x7D0, $0x38;
	[tilespmem:$0x1C020] =	vst v63  }
0x63: {  	_ =	swait.ge @!p4 [sflag:s17], $0x7D0  }
0x64: {  	[sflag:s17] =	ssyncset.done @!p4 $0x0  }
0x65: {  	s3 =	simm.s32 @!p4 $0x50;
	s4 =	simm.s32 @!p4 $0xFA0;
	[sflag:s17] =	ssyncadd.s32 @!p4 $0xFFFFF830  }
0x66: {  	[tilespmem:s4], [sflag:$0x1] =	stream.indirect.gather @!p4 [hbm4b:s1+s3], $0x80, s16, s3, $0xb8;
	[tilespmem:$0x1C020] =	vst v63  }
0x67: {  	s4 =	simm.s32 @!p4 $0x37A0  }
0x68: {  	[tilespmem:s4], [sflag:$0x2] =	stream.indirect.gather @!p4 [hbm4b:s1+s3], $0x80, s3, s3, $0xb8;
	[tilespmem:$0x1C020] =	vst v63  }
0x69: {  	s16 =	simm.s32 @!p4 $0x5FA0;
	s4 =	simm.s32 @!p4 $0xA0  }
0x6a: {  	[tilespmem:s16], [sflag:$0x3] =	stream.indirect.gather @!p4 [hbm4b:s1+s3], $0x80, s4, s3, $0xb8;
	[tilespmem:$0x1C020] =	vst v63  }
0x6b: {  	_ =	swait.ge [sflag:s26], $0x2800  }
0x6c: {  	[sflag:s26] =	ssyncset.done $0x0  }
0x6d: {  	[sflag:s26] =	ssyncadd.s32 $0xFFFFD800  }
0x6e: {  	[spmem:s2] =	stream.indirect.scatter.add.f32 [tilespmem:s21], [sflag:$0x5], $0x80, s19, s20, $0xb8;
	[tilespmem:$0x1C020] =	vst v63  }
0x6f: {  	_ =	swait.ge [sflag:s18], $0x2800  }
0x70: {  	[sflag:s18] =	ssyncset.done $0x0  }
0x71: {  	s25 =	rddreg [dreg:$0x6];
	[sflag:s18] =	ssyncadd.s32 $0xFFFFD800  }
0x72: {  	[tilespmem:s21], [sflag:$0x1] =	stream.indirect.gather [hbm4b:s1+s20], $0x80, s25, s20, $0xb8;
	[tilespmem:$0x1C020] =	vst v63  }
0x73: {  	_ =	swait.ge [sflag:s28], $0x2800  }
0x74: {  	[sflag:s28] =	ssyncset.done $0x0  }
0x75: {  	s4 =	rddreg [dreg:$0x7];
	[sflag:s28] =	ssyncadd.s32 $0xFFFFD800  }
0x76: {  	[spmem:s2] =	stream.indirect.scatter.add.f32 [tilespmem:s22], [sflag:$0x5], $0x80, s4, s20, $0xb8;
	[tilespmem:$0x1C020] =	vst v63  }
0x77: {  	_ =	swait.ge [sflag:s18], $0x2800  }
0x78: {  	[sflag:s18] =	ssyncset.done $0x0  }
0x79: {  	s5 =	rddreg [dreg:$0x8];
	[sflag:s18] =	ssyncadd.s32 $0xFFFFD800  }
0x7a: {  	[tilespmem:s22], [sflag:$0x2] =	stream.indirect.gather [hbm4b:s1+s20], $0x80, s5, s20, $0xb8;
	[tilespmem:$0x1C020] =	vst v63  }
0x7b: {  	_ =	swait.ge [sflag:s29], $0x2800  }
0x7c: {  	[sflag:s29] =	ssyncset.done $0x0  }
0x7d: {  	s16 =	rddreg [dreg:$0x9];
	[sflag:s29] =	ssyncadd.s32 $0xFFFFD800  }
0x7e: {  	[spmem:s2] =	stream.indirect.scatter.add.f32 [tilespmem:s24], [sflag:$0x5], $0x80, s16, s20, $0xb8;
	[tilespmem:$0x1C020] =	vst v63  }
0x7f: {  	_ =	swait.ge [sflag:s18], $0x2800  }
0x80: {  	[sflag:s18] =	ssyncset.done $0x0  }
0x81: {  	s17 =	rddreg [dreg:$0xa];
	[sflag:s18] =	ssyncadd.s32 $0xFFFFD800  }
0x82: {  	[tilespmem:s24], [sflag:$0x3] =	stream.indirect.gather [hbm4b:s1+s20], $0x80, s17, s20, $0xb8;
	[tilespmem:$0x1C020] =	vst v63  }
0x83: {  	_ =	swait.ge [sflag:s26], $0x2800  }
0x84: {  	[sflag:s26] =	ssyncset.done $0x0  }
0x85: {  	s25 =	rddreg [dreg:$0xb];
	[sflag:s26] =	ssyncadd.s32 $0xFFFFD800  }
0x86: {  	[spmem:s2] =	stream.indirect.scatter.add.f32 [tilespmem:s21], [sflag:$0x5], $0x80, s25, s20, $0xb8;
	[tilespmem:$0x1C020] =	vst v63  }
0x87: {  	_ =	swait.ge [sflag:s18], $0x2800  }
0x88: {  	[sflag:s18] =	ssyncset.done $0x0  }
0x89: {  	s4 =	rddreg [dreg:$0xc];
	[sflag:s18] =	ssyncadd.s32 $0xFFFFD800  }
0x8a: {  	[tilespmem:s21], [sflag:$0x1] =	stream.indirect.gather [hbm4b:s1+s20], $0x80, s4, s20, $0xb8;
	[tilespmem:$0x1C020] =	vst v63  }
0x8b: {  	_ =	swait.ge [sflag:s28], $0x2800  }
0x8c: {  	[sflag:s28] =	ssyncset.done $0x0  }
0x8d: {  	s5 =	rddreg [dreg:$0xd];
	[sflag:s28] =	ssyncadd.s32 $0xFFFFD800  }
0x8e: {  	[spmem:s2] =	stream.indirect.scatter.add.f32 [tilespmem:s22], [sflag:$0x5], $0x80, s5, s20, $0xb8;
	[tilespmem:$0x1C020] =	vst v63  }
0x8f: {  	_ =	swait.ge [sflag:s18], $0x2800  }
0x90: {  	[sflag:s18] =	ssyncset.done $0x0  }
0x91: {  	s16 =	rddreg [dreg:$0xe];
	[sflag:s18] =	ssyncadd.s32 $0xFFFFD800  }
0x92: {  	[tilespmem:s22], [sflag:$0x2] =	stream.indirect.gather [hbm4b:s1+s20], $0x80, s16, s20, $0xb8;
	[tilespmem:$0x1C020] =	vst v63  }
0x93: {  	_ =	swait.ge [sflag:s29], $0x2800  }
0x94: {  	[sflag:s29] =	ssyncset.done $0x0  }
0x95: {  	s17 =	rddreg [dreg:$0xf];
	[sflag:s29] =	ssyncadd.s32 $0xFFFFD800  }
0x96: {  	[spmem:s2] =	stream.indirect.scatter.add.f32 [tilespmem:s24], [sflag:$0x5], $0x80, s17, s20, $0xb8;
	[tilespmem:$0x1C020] =	vst v63  }
0x97: {  	_ =	swait.ge [sflag:s18], $0x2800  }
0x98: {  	[sflag:s18] =	ssyncset.done $0x0  }
0x99: {  	s25 =	rddreg [dreg:$0x10];
	[sflag:s18] =	ssyncadd.s32 $0xFFFFD800  }
0x9a: {  	[tilespmem:s24], [sflag:$0x3] =	stream.indirect.gather [hbm4b:s1+s20], $0x80, s25, s20, $0xb8;
	[tilespmem:$0x1C020] =	vst v63  }
0x9b: {  	_ =	swait.ge [sflag:s26], $0x2800  }
0x9c: {  	[sflag:s26] =	ssyncset.done $0x0  }
0x9d: {  	s4 =	rddreg [dreg:$0x11];
	[sflag:s26] =	ssyncadd.s32 $0xFFFFD800  }
0x9e: {  	[spmem:s2] =	stream.indirect.scatter.add.f32 [tilespmem:s21], [sflag:$0x5], $0x80, s4, s20, $0xb8;
	[tilespmem:$0x1C020] =	vst v63  }
0x9f: {  	_ =	swait.ge [sflag:s18], $0x2800  }
0xa0: {  	[sflag:s18] =	ssyncset.done $0x0  }
0xa1: {  	s5 =	rddreg [dreg:$0x12];
	[sflag:s18] =	ssyncadd.s32 $0xFFFFD800  }
0xa2: {  	[tilespmem:s21], [sflag:$0x1] =	stream.indirect.gather [hbm4b:s1+s20], $0x80, s5, s20, $0xb8;
	[tilespmem:$0x1C020] =	vst v63  }
0xa3: {  	_ =	swait.ge [sflag:s28], $0x2800  }
0xa4: {  	[sflag:s28] =	ssyncset.done $0x0  }
0xa5: {  	s16 =	rddreg [dreg:$0x13];
	[sflag:s28] =	ssyncadd.s32 $0xFFFFD800  }
0xa6: {  	[spmem:s2] =	stream.indirect.scatter.add.f32 [tilespmem:s22], [sflag:$0x5], $0x80, s16, s20, $0xb8;
	[tilespmem:$0x1C020] =	vst v63  }
0xa7: {  	_ =	swait.ge [sflag:s18], $0x2800  }
0xa8: {  	[sflag:s18] =	ssyncset.done $0x0  }
0xa9: {  	s17 =	rddreg [dreg:$0x14];
	[sflag:s18] =	ssyncadd.s32 $0xFFFFD800  }
0xaa: {  	[tilespmem:s22], [sflag:$0x2] =	stream.indirect.gather [hbm4b:s1+s20], $0x80, s17, s20, $0xb8;
	[tilespmem:$0x1C020] =	vst v63  }
0xab: {  	_ =	swait.ge [sflag:s29], $0x2800  }
0xac: {  	[sflag:s29] =	ssyncset.done $0x0  }
0xad: {  	s25 =	rddreg [dreg:$0x15];
	[sflag:s29] =	ssyncadd.s32 $0xFFFFD800  }
0xae: {  	[spmem:s2] =	stream.indirect.scatter.add.f32 [tilespmem:s24], [sflag:$0x5], $0x80, s25, s20, $0xb8;
	[tilespmem:$0x1C020] =	vst v63  }
0xaf: {  	_ =	swait.ge [sflag:s18], $0x2800  }
0xb0: {  	[sflag:s18] =	ssyncset.done $0x0  }
0xb1: {  	s4 =	rddreg [dreg:$0x16];
	[sflag:s18] =	ssyncadd.s32 $0xFFFFD800  }
0xb2: {  	[tilespmem:s24], [sflag:$0x3] =	stream.indirect.gather [hbm4b:s1+s20], $0x80, s4, s20, $0xb8;
	[tilespmem:$0x1C020] =	vst v63  }
0xb3: {  	_ =	swait.ge [sflag:s26], $0x2800  }
0xb4: {  	[sflag:s26] =	ssyncset.done $0x0  }
0xb5: {  	s5 =	rddreg [dreg:$0x17];
	[sflag:s26] =	ssyncadd.s32 $0xFFFFD800  }
0xb6: {  	[spmem:s2] =	stream.indirect.scatter.add.f32 [tilespmem:s21], [sflag:$0x5], $0x80, s5, s20, $0xb8;
	[tilespmem:$0x1C020] =	vst v63  }
0xb7: {  	_ =	swait.ge [sflag:s18], $0x2800  }
0xb8: {  	[sflag:s18] =	ssyncset.done $0x0  }
0xb9: {  	s16 =	rddreg [dreg:$0x18];
	[sflag:s18] =	ssyncadd.s32 $0xFFFFD800  }
0xba: {  	[tilespmem:s21], [sflag:$0x1] =	stream.indirect.gather [hbm4b:s1+s20], $0x80, s16, s20, $0xb8;
	[tilespmem:$0x1C020] =	vst v63  }
0xbb: {  	_ =	swait.ge [sflag:s28], $0x2800  }
0xbc: {  	[sflag:s28] =	ssyncset.done $0x0  }
0xbd: {  	s17 =	rddreg [dreg:$0x19];
	[sflag:s28] =	ssyncadd.s32 $0xFFFFD800  }
0xbe: {  	[spmem:s2] =	stream.indirect.scatter.add.f32 [tilespmem:s22], [sflag:$0x5], $0x80, s17, s20, $0xb8;
	[tilespmem:$0x1C020] =	vst v63  }
0xbf: {  	_ =	swait.ge [sflag:s18], $0x2800  }
0xc0: {  	[sflag:s18] =	ssyncset.done $0x0  }
0xc1: {  	s25 =	rddreg [dreg:$0x1a];
	[sflag:s18] =	ssyncadd.s32 $0xFFFFD800  }
0xc2: {  	[tilespmem:s22], [sflag:$0x2] =	stream.indirect.gather [hbm4b:s1+s20], $0x80, s25, s20, $0xb8;
	[tilespmem:$0x1C020] =	vst v63  }
0xc3: {  	_ =	swait.ge [sflag:s29], $0x2800  }
0xc4: {  	[sflag:s29] =	ssyncset.done $0x0  }
0xc5: {  	s4 =	rddreg [dreg:$0x1b];
	[sflag:s29] =	ssyncadd.s32 $0xFFFFD800  }
0xc6: {  	[spmem:s2] =	stream.indirect.scatter.add.f32 [tilespmem:s24], [sflag:$0x5], $0x80, s4, s20, $0xb8;
	[tilespmem:$0x1C020] =	vst v63  }
0xc7: {  	_ =	swait.ge [sflag:s18], $0x2800  }
0xc8: {  	[sflag:s18] =	ssyncset.done $0x0  }
0xc9: {  	s5 =	rddreg [dreg:$0x1c];
	[sflag:s18] =	ssyncadd.s32 $0xFFFFD800  }
0xca: {  	[tilespmem:s24], [sflag:$0x3] =	stream.indirect.gather [hbm4b:s1+s20], $0x80, s5, s20, $0xb8;
	[tilespmem:$0x1C020] =	vst v63  }
0xcb: {  	_ =	swait.ge [sflag:s26], $0x2800  }
0xcc: {  	[sflag:s26] =	ssyncset.done $0x0  }
0xcd: {  	s16 =	rddreg [dreg:$0x1d];
	[sflag:s26] =	ssyncadd.s32 $0xFFFFD800  }
0xce: {  	[spmem:s2] =	stream.indirect.scatter.add.f32 [tilespmem:s21], [sflag:$0x5], $0x80, s16, s20, $0xb8;
	[tilespmem:$0x1C020] =	vst v63  }
0xcf: {  	_ =	swait.ge [sflag:s18], $0x2800  }
0xd0: {  	[sflag:s18] =	ssyncset.done $0x0  }
0xd1: {  	s17 =	rddreg [dreg:$0x1e];
	[sflag:s18] =	ssyncadd.s32 $0xFFFFD800  }
0xd2: {  	[tilespmem:s21], [sflag:$0x1] =	stream.indirect.gather [hbm4b:s1+s20], $0x80, s17, s20, $0xb8;
	[tilespmem:$0x1C020] =	vst v63  }
0xd3: {  	_ =	swait.ge [sflag:s28], $0x2800  }
0xd4: {  	[sflag:s28] =	ssyncset.done $0x0  }
0xd5: {  	s25 =	rddreg [dreg:$0x1f];
	[sflag:s28] =	ssyncadd.s32 $0xFFFFD800  }
0xd6: {  	[spmem:s2] =	stream.indirect.scatter.add.f32 [tilespmem:s22], [sflag:$0x5], $0x80, s25, s20, $0xb8;
	[tilespmem:$0x1C020] =	vst v63  }
0xd7: {  	_ =	swait.ge [sflag:s18], $0x2800  }
0xd8: {  	s4 =	sld [smem:$0x7F4]  }
0xd9: {  	[sflag:s18] =	ssyncset.done $0x0  }
0xda: {  	[sflag:s18] =	ssyncadd.s32 $0xFFFFD800  }
0xdb: {  	[tilespmem:s22], [sflag:$0x2] =	stream.indirect.gather [hbm4b:s1+s20], $0x80, s4, s20, $0xb8;
	[tilespmem:$0x1C020] =	vst v63  }
0xdc: {  	_ =	swait.ge [sflag:s29], $0x2800  }
0xdd: {  	s5 =	sld [smem:$0x7F5]  }
0xde: {  	[sflag:s29] =	ssyncset.done $0x0  }
0xdf: {  	[sflag:s29] =	ssyncadd.s32 $0xFFFFD800  }
0xe0: {  	[spmem:s2] =	stream.indirect.scatter.add.f32 [tilespmem:s24], [sflag:$0x5], $0x80, s5, s20, $0xb8;
	[tilespmem:$0x1C020] =	vst v63  }
0xe1: {  	_ =	swait.ge [sflag:s18], $0x2800  }
0xe2: {  	s16 =	sld [smem:$0x7F6]  }
0xe3: {  	[sflag:s18] =	ssyncset.done $0x0  }
0xe4: {  	[sflag:s18] =	ssyncadd.s32 $0xFFFFD800  }
0xe5: {  	[tilespmem:s24], [sflag:$0x3] =	stream.indirect.gather [hbm4b:s1+s20], $0x80, s16, s20, $0xb8;
	[tilespmem:$0x1C020] =	vst v63  }
0xe6: {  	_ =	swait.ge [sflag:s26], $0x2800  }
0xe7: {  	s17 =	sld [smem:$0x7F7]  }
0xe8: {  	[sflag:s26] =	ssyncset.done $0x0  }
0xe9: {  	[sflag:s26] =	ssyncadd.s32 $0xFFFFD800  }
0xea: {  	[spmem:s2] =	stream.indirect.scatter.add.f32 [tilespmem:s21], [sflag:$0x5], $0x80, s17, s20, $0xb8;
	[tilespmem:$0x1C020] =	vst v63  }
0xeb: {  	_ =	swait.ge [sflag:s18], $0x2800  }
0xec: {  	s25 =	sld [smem:$0x7F8]  }
0xed: {  	[sflag:s18] =	ssyncset.done $0x0  }
0xee: {  	[sflag:s18] =	ssyncadd.s32 $0xFFFFD800  }
0xef: {  	[tilespmem:s21], [sflag:$0x1] =	stream.indirect.gather [hbm4b:s1+s20], $0x80, s25, s20, $0xb8;
	[tilespmem:$0x1C020] =	vst v63  }
0xf0: {  	_ =	swait.ge [sflag:s28], $0x2800  }
0xf1: {  	s4 =	sld [smem:$0x7F9]  }
0xf2: {  	[sflag:s28] =	ssyncset.done $0x0  }
0xf3: {  	[sflag:s28] =	ssyncadd.s32 $0xFFFFD800  }
0xf4: {  	[spmem:s2] =	stream.indirect.scatter.add.f32 [tilespmem:s22], [sflag:$0x5], $0x80, s4, s20, $0xb8;
	[tilespmem:$0x1C020] =	vst v63  }
0xf5: {  	_ =	swait.ge [sflag:s18], $0x2800  }
0xf6: {  	s5 =	sld [smem:$0x7FA]  }
0xf7: {  	[sflag:s18] =	ssyncset.done $0x0  }
0xf8: {  	[sflag:s18] =	ssyncadd.s32 $0xFFFFD800  }
0xf9: {  	[tilespmem:s22], [sflag:$0x2] =	stream.indirect.gather [hbm4b:s1+s20], $0x80, s5, s20, $0xb8;
	[tilespmem:$0x1C020] =	vst v63  }
0xfa: {  	_ =	swait.ge [sflag:s29], $0x2800  }
0xfb: {  	s16 =	sld [smem:$0x7FB]  }
0xfc: {  	[sflag:s29] =	ssyncset.done $0x0  }
0xfd: {  	[sflag:s29] =	ssyncadd.s32 $0xFFFFD800  }
0xfe: {  	[spmem:s2] =	stream.indirect.scatter.add.f32 [tilespmem:s24], [sflag:$0x5], $0x80, s16, s20, $0xb8;
	[tilespmem:$0x1C020] =	vst v63  }
0xff: {  	_ =	swait.ge [sflag:s18], $0x2800  }
0x100: {  	s17 =	sld [smem:$0x7FC]  }
0x101: {  	[sflag:s18] =	ssyncset.done $0x0  }
0x102: {  	[sflag:s18] =	ssyncadd.s32 $0xFFFFD800  }
0x103: {  	[tilespmem:s24], [sflag:$0x3] =	stream.indirect.gather [hbm4b:s1+s20], $0x80, s17, s20, $0xb8;
	[tilespmem:$0x1C020] =	vst v63  }
0x104: {  	_ =	swait.ge [sflag:s26], $0x2800  }
0x105: {  	s25 =	sld [smem:$0x7FD]  }
0x106: {  	[sflag:s26] =	ssyncset.done $0x0  }
0x107: {  	[sflag:s26] =	ssyncadd.s32 $0xFFFFD800  }
0x108: {  	[spmem:s2] =	stream.indirect.scatter.add.f32 [tilespmem:s21], [sflag:$0x5], $0x80, s25, s20, $0xb8;
	[tilespmem:$0x1C020] =	vst v63  }
0x109: {  	_ =	swait.ge [sflag:s18], $0x2800  }
0x10a: {  	[sflag:s18] =	ssyncset.done $0x0  }
0x10b: {  	[sflag:s18] =	ssyncadd.s32 $0xFFFFD800  }
0x10c: {  	[tilespmem:s21], [sflag:$0x1] =	stream.indirect.gather [hbm4b:s1+s20], $0x80, s30, s20, $0xb8;
	[tilespmem:$0x1C020] =	vst v63  }
0x10d: {  	_ =	swait.ge [sflag:s28], $0x2800  }
0x10e: {  	[sflag:s28] =	ssyncset.done $0x0  }
0x10f: {  	[sflag:s28] =	ssyncadd.s32 $0xFFFFD800  }
0x110: {  	[spmem:s2] =	stream.indirect.scatter.add.f32 [tilespmem:s22], [sflag:$0x5], $0x80, s31, s20, $0xb8;
	[tilespmem:$0x1C020] =	vst v63  }
0x111: {  	_ =	swait.ge [sflag:s18], $0x2800  }
0x112: {  	[sflag:s18] =	ssyncset.done $0x0  }
0x113: {  	[sflag:s18] =	ssyncadd.s32 $0xFFFFD800  }
0x114: {  	[tilespmem:s22], [sflag:$0x2] =	stream.indirect.gather [hbm4b:s1+s20], $0x80, s0, s20, $0xb8;
	[tilespmem:$0x1C020] =	vst v63  }
0x115: {  	_ =	swait.ge [sflag:s29], $0x2800  }
0x116: {  	[sflag:s29] =	ssyncset.done $0x0  }
0x117: {  	[sflag:s29] =	ssyncadd.s32 $0xFFFFD800  }
0x118: {  	[spmem:s2] =	stream.indirect.scatter.add.f32 [tilespmem:s24], [sflag:$0x5], $0x80, s23, s20, $0xb8;
	[tilespmem:$0x1C020] =	vst v63  }
0x119: {  	_ =	swait.ge [sflag:s18], $0x2800  }
0x11a: {  	[sflag:s18] =	ssyncset.done $0x0  }
0x11b: {  	[sflag:s18] =	ssyncadd.s32 $0xFFFFD800  }
0x11c: {  	[tilespmem:s24], [sflag:$0x3] =	stream.indirect.gather [hbm4b:s1+s20], $0x80, s7, s20, $0xb8;
	[tilespmem:$0x1C020] =	vst v63  }
0x11d: {  	_ =	swait.ge [sflag:s26], $0x2800  }
0x11e: {  	[sflag:s26] =	ssyncset.done $0x0  }
0x11f: {  	[sflag:s26] =	ssyncadd.s32 $0xFFFFD800  }
0x120: {  	[spmem:s2] =	stream.indirect.scatter.add.f32 [tilespmem:s21], [sflag:$0x5], $0x80, s9, s20, $0xb8;
	[tilespmem:$0x1C020] =	vst v63  }
0x121: {  	_ =	swait.ge [sflag:s18], $0x2800  }
0x122: {  	[sflag:s18] =	ssyncset.done $0x0  }
0x123: {  	[sflag:s18] =	ssyncadd.s32 $0xFFFFD800  }
0x124: {  	[tilespmem:s21], [sflag:$0x1] =	stream.indirect.gather [hbm4b:s1+s20], $0x80, s10, s20, $0xb8;
	[tilespmem:$0x1C020] =	vst v63  }
0x125: {  	_ =	swait.ge [sflag:s28], $0x2800  }
0x126: {  	[sflag:s28] =	ssyncset.done $0x0  }
0x127: {  	[sflag:s28] =	ssyncadd.s32 $0xFFFFD800  }
0x128: {  	[spmem:s2] =	stream.indirect.scatter.add.f32 [tilespmem:s22], [sflag:$0x5], $0x80, s11, s20, $0xb8;
	[tilespmem:$0x1C020] =	vst v63  }
0x129: {  	_ =	swait.ge [sflag:s18], $0x2800  }
0x12a: {  	[sflag:s18] =	ssyncset.done $0x0  }
0x12b: {  	[sflag:s18] =	ssyncadd.s32 $0xFFFFD800  }
0x12c: {  	_ =	swait.ge [sflag:s29], $0x2800  }
0x12d: {  	[sflag:s29] =	ssyncset.done $0x0  }
0x12e: {  	[sflag:s29] =	ssyncadd.s32 $0xFFFFD800  }
0x12f: {  	[spmem:s2] =	stream.indirect.scatter.add.f32 [tilespmem:s24], [sflag:$0x5], $0x80, s12, s20, $0xb8;
	[tilespmem:$0x1C020] =	vst v63  }
0x130: {  	_ =	swait.ge [sflag:s18], $0x2800  }
0x131: {  	[sflag:s18] =	ssyncset.done $0x0  }
0x132: {  	[sflag:s18] =	ssyncadd.s32 $0xFFFFD800  }
0x133: {  	_ =	swait.ge [sflag:s26], $0x2800  }
0x134: {  	[sflag:s26] =	ssyncset.done $0x0  }
0x135: {  	[sflag:s26] =	ssyncadd.s32 $0xFFFFD800  }
0x136: {  	[spmem:s2] =	stream.indirect.scatter.add.f32 [tilespmem:s21], [sflag:$0x5], $0x80, s13, s20, $0xb8;
	[tilespmem:$0x1C020] =	vst v63  }
0x137: {  	s16 =	simm.s32 $0xFA;
	_ =	swait.ge [sflag:s18], $0x2800  }
0x138: {  	s17 =	simm.s32 $0x1F4;
	s3 =	rddreg [dreg:$0x5];
	[sflag:s18] =	ssyncset.done $0x0  }
.LBB2_2:
0x139: {  	[sflag:s18] =	ssyncadd.s32 $0xFFFFD800;
	p5 =	seq.s32 s16, $0x0  }
0x13a: {  	s3 =	sadd.s32 @!p5 s16, s3;
	s25 =	simm.s32 @!p5 $0x0;
	s5 =	simm.s32 @!p5 $0x5  }
0x13b: {  	[tilespmem:s25], [sflag:$0x5] =	stream.linear.gather @!p5 [hbm4b:s3+s25], $0x7D0, $0x38;
	[tilespmem:$0x1C020] =	vst v63  }
0x13c: {  	_ =	swait.ge @!p5 [sflag:s5], $0x7D0  }
0x13d: {  	s3 =	rddreg [dreg:$0x4];
	[sflag:s5] =	ssyncset.done @!p5 $0x0  }
0x13e: {  	[sflag:s5] =	ssyncadd.s32 @!p5 $0xFFFFF830;
	s3 =	sadd.s32 @!p5 s16, s3;
	s16 =	simm.s32 @!p5 $0x7D0  }
0x13f: {  	[tilespmem:s16], [sflag:$0x5] =	stream.linear.gather @!p5 [hbm4b:s3+s25], $0x7D0, $0x38;
	[tilespmem:$0x1C020] =	vst v63  }
0x140: {  	s4 =	smov.u32 s17;
	_ =	swait.ge @!p5 [sflag:s5], $0x7D0  }
0x141: {  	s16 =	smov.u32 s4;
	[sflag:s5] =	ssyncset.done @!p5 $0x0  }
0x142: {  	s3 =	simm.s32 @!p5 $0x50;
	s4 =	simm.s32 @!p5 $0xFA0;
	[sflag:s5] =	ssyncadd.s32 @!p5 $0xFFFFF830  }
0x143: {  	[tilespmem:s4], [sflag:$0x1] =	stream.indirect.gather @!p5 [hbm4b:s1+s3], $0x80, s25, s3, $0xb8;
	[tilespmem:$0x1C020] =	vst v63  }
0x144: {  	s4 =	simm.s32 @!p5 $0x37A0  }
0x145: {  	[tilespmem:s4], [sflag:$0x2] =	stream.indirect.gather @!p5 [hbm4b:s1+s3], $0x80, s3, s3, $0xb8;
	[tilespmem:$0x1C020] =	vst v63  }
0x146: {  	s5 =	simm.s32 @!p5 $0x5FA0;
	s4 =	simm.s32 @!p5 $0xA0  }
0x147: {  	[tilespmem:s5], [sflag:$0x3] =	stream.indirect.gather @!p5 [hbm4b:s1+s3], $0x80, s4, s3, $0xb8;
	[tilespmem:$0x1C020] =	vst v63  }
0x148: {  	_ =	swait.ge [sflag:s26], $0x2800  }
0x149: {  	[sflag:s26] =	ssyncset.done $0x0  }
0x14a: {  	[sflag:s26] =	ssyncadd.s32 $0xFFFFD800  }
0x14b: {  	[spmem:s2] =	stream.indirect.scatter.add.f32 [tilespmem:s21], [sflag:$0x5], $0x80, s19, s20, $0xb8;
	[tilespmem:$0x1C020] =	vst v63  }
0x14c: {  	_ =	swait.ge [sflag:s18], $0x2800  }
0x14d: {  	[sflag:s18] =	ssyncset.done $0x0  }
0x14e: {  	s4 =	rddreg [dreg:$0x6];
	[sflag:s18] =	ssyncadd.s32 $0xFFFFD800  }
0x14f: {  	[tilespmem:s21], [sflag:$0x1] =	stream.indirect.gather [hbm4b:s1+s20], $0x80, s4, s20, $0xb8;
	[tilespmem:$0x1C020] =	vst v63  }
0x150: {  	_ =	swait.ge [sflag:s28], $0x2800  }
0x151: {  	[sflag:s28] =	ssyncset.done $0x0  }
0x152: {  	s5 =	rddreg [dreg:$0x7];
	[sflag:s28] =	ssyncadd.s32 $0xFFFFD800  }
0x153: {  	[spmem:s2] =	stream.indirect.scatter.add.f32 [tilespmem:s22], [sflag:$0x5], $0x80, s5, s20, $0xb8;
	[tilespmem:$0x1C020] =	vst v63  }
0x154: {  	_ =	swait.ge [sflag:s18], $0x2800  }
0x155: {  	[sflag:s18] =	ssyncset.done $0x0  }
0x156: {  	s25 =	rddreg [dreg:$0x8];
	[sflag:s18] =	ssyncadd.s32 $0xFFFFD800  }
0x157: {  	[tilespmem:s22], [sflag:$0x2] =	stream.indirect.gather [hbm4b:s1+s20], $0x80, s25, s20, $0xb8;
	[tilespmem:$0x1C020] =	vst v63  }
0x158: {  	_ =	swait.ge [sflag:s29], $0x2800  }
0x159: {  	[sflag:s29] =	ssyncset.done $0x0  }
0x15a: {  	s4 =	rddreg [dreg:$0x9];
	[sflag:s29] =	ssyncadd.s32 $0xFFFFD800  }
0x15b: {  	[spmem:s2] =	stream.indirect.scatter.add.f32 [tilespmem:s24], [sflag:$0x5], $0x80, s4, s20, $0xb8;
	[tilespmem:$0x1C020] =	vst v63  }
0x15c: {  	_ =	swait.ge [sflag:s18], $0x2800  }
0x15d: {  	[sflag:s18] =	ssyncset.done $0x0  }
0x15e: {  	s5 =	rddreg [dreg:$0xa];
	[sflag:s18] =	ssyncadd.s32 $0xFFFFD800  }
0x15f: {  	[tilespmem:s24], [sflag:$0x3] =	stream.indirect.gather [hbm4b:s1+s20], $0x80, s5, s20, $0xb8;
	[tilespmem:$0x1C020] =	vst v63  }
0x160: {  	_ =	swait.ge [sflag:s26], $0x2800  }
0x161: {  	[sflag:s26] =	ssyncset.done $0x0  }
0x162: {  	s25 =	rddreg [dreg:$0xb];
	[sflag:s26] =	ssyncadd.s32 $0xFFFFD800  }
0x163: {  	[spmem:s2] =	stream.indirect.scatter.add.f32 [tilespmem:s21], [sflag:$0x5], $0x80, s25, s20, $0xb8;
	[tilespmem:$0x1C020] =	vst v63  }
0x164: {  	_ =	swait.ge [sflag:s18], $0x2800  }
0x165: {  	[sflag:s18] =	ssyncset.done $0x0  }
0x166: {  	s4 =	rddreg [dreg:$0xc];
	[sflag:s18] =	ssyncadd.s32 $0xFFFFD800  }
0x167: {  	[tilespmem:s21], [sflag:$0x1] =	stream.indirect.gather [hbm4b:s1+s20], $0x80, s4, s20, $0xb8;
	[tilespmem:$0x1C020] =	vst v63  }
0x168: {  	_ =	swait.ge [sflag:s28], $0x2800  }
0x169: {  	[sflag:s28] =	ssyncset.done $0x0  }
0x16a: {  	s5 =	rddreg [dreg:$0xd];
	[sflag:s28] =	ssyncadd.s32 $0xFFFFD800  }
0x16b: {  	[spmem:s2] =	stream.indirect.scatter.add.f32 [tilespmem:s22], [sflag:$0x5], $0x80, s5, s20, $0xb8;
	[tilespmem:$0x1C020] =	vst v63  }
0x16c: {  	_ =	swait.ge [sflag:s18], $0x2800  }
0x16d: {  	[sflag:s18] =	ssyncset.done $0x0  }
0x16e: {  	s25 =	rddreg [dreg:$0xe];
	[sflag:s18] =	ssyncadd.s32 $0xFFFFD800  }
0x16f: {  	[tilespmem:s22], [sflag:$0x2] =	stream.indirect.gather [hbm4b:s1+s20], $0x80, s25, s20, $0xb8;
	[tilespmem:$0x1C020] =	vst v63  }
0x170: {  	_ =	swait.ge [sflag:s29], $0x2800  }
0x171: {  	[sflag:s29] =	ssyncset.done $0x0  }
0x172: {  	s4 =	rddreg [dreg:$0xf];
	[sflag:s29] =	ssyncadd.s32 $0xFFFFD800  }
0x173: {  	[spmem:s2] =	stream.indirect.scatter.add.f32 [tilespmem:s24], [sflag:$0x5], $0x80, s4, s20, $0xb8;
	[tilespmem:$0x1C020] =	vst v63  }
0x174: {  	_ =	swait.ge [sflag:s18], $0x2800  }
0x175: {  	[sflag:s18] =	ssyncset.done $0x0  }
0x176: {  	s5 =	rddreg [dreg:$0x10];
	[sflag:s18] =	ssyncadd.s32 $0xFFFFD800  }
0x177: {  	[tilespmem:s24], [sflag:$0x3] =	stream.indirect.gather [hbm4b:s1+s20], $0x80, s5, s20, $0xb8;
	[tilespmem:$0x1C020] =	vst v63  }
0x178: {  	_ =	swait.ge [sflag:s26], $0x2800  }
0x179: {  	[sflag:s26] =	ssyncset.done $0x0  }
0x17a: {  	s25 =	rddreg [dreg:$0x11];
	[sflag:s26] =	ssyncadd.s32 $0xFFFFD800  }
0x17b: {  	[spmem:s2] =	stream.indirect.scatter.add.f32 [tilespmem:s21], [sflag:$0x5], $0x80, s25, s20, $0xb8;
	[tilespmem:$0x1C020] =	vst v63  }
0x17c: {  	_ =	swait.ge [sflag:s18], $0x2800  }
0x17d: {  	[sflag:s18] =	ssyncset.done $0x0  }
0x17e: {  	s4 =	rddreg [dreg:$0x12];
	[sflag:s18] =	ssyncadd.s32 $0xFFFFD800  }
0x17f: {  	[tilespmem:s21], [sflag:$0x1] =	stream.indirect.gather [hbm4b:s1+s20], $0x80, s4, s20, $0xb8;
	[tilespmem:$0x1C020] =	vst v63  }
0x180: {  	_ =	swait.ge [sflag:s28], $0x2800  }
0x181: {  	[sflag:s28] =	ssyncset.done $0x0  }
0x182: {  	s5 =	rddreg [dreg:$0x13];
	[sflag:s28] =	ssyncadd.s32 $0xFFFFD800  }
0x183: {  	[spmem:s2] =	stream.indirect.scatter.add.f32 [tilespmem:s22], [sflag:$0x5], $0x80, s5, s20, $0xb8;
	[tilespmem:$0x1C020] =	vst v63  }
0x184: {  	_ =	swait.ge [sflag:s18], $0x2800  }
0x185: {  	[sflag:s18] =	ssyncset.done $0x0  }
0x186: {  	s25 =	rddreg [dreg:$0x14];
	[sflag:s18] =	ssyncadd.s32 $0xFFFFD800  }
0x187: {  	[tilespmem:s22], [sflag:$0x2] =	stream.indirect.gather [hbm4b:s1+s20], $0x80, s25, s20, $0xb8;
	[tilespmem:$0x1C020] =	vst v63  }
0x188: {  	_ =	swait.ge [sflag:s29], $0x2800  }
0x189: {  	[sflag:s29] =	ssyncset.done $0x0  }
0x18a: {  	s4 =	rddreg [dreg:$0x15];
	[sflag:s29] =	ssyncadd.s32 $0xFFFFD800  }
0x18b: {  	[spmem:s2] =	stream.indirect.scatter.add.f32 [tilespmem:s24], [sflag:$0x5], $0x80, s4, s20, $0xb8;
	[tilespmem:$0x1C020] =	vst v63  }
0x18c: {  	_ =	swait.ge [sflag:s18], $0x2800  }
0x18d: {  	[sflag:s18] =	ssyncset.done $0x0  }
0x18e: {  	s5 =	rddreg [dreg:$0x16];
	[sflag:s18] =	ssyncadd.s32 $0xFFFFD800  }
0x18f: {  	[tilespmem:s24], [sflag:$0x3] =	stream.indirect.gather [hbm4b:s1+s20], $0x80, s5, s20, $0xb8;
	[tilespmem:$0x1C020] =	vst v63  }
0x190: {  	_ =	swait.ge [sflag:s26], $0x2800  }
0x191: {  	[sflag:s26] =	ssyncset.done $0x0  }
0x192: {  	s25 =	rddreg [dreg:$0x17];
	[sflag:s26] =	ssyncadd.s32 $0xFFFFD800  }
0x193: {  	[spmem:s2] =	stream.indirect.scatter.add.f32 [tilespmem:s21], [sflag:$0x5], $0x80, s25, s20, $0xb8;
	[tilespmem:$0x1C020] =	vst v63  }
0x194: {  	_ =	swait.ge [sflag:s18], $0x2800  }
0x195: {  	[sflag:s18] =	ssyncset.done $0x0  }
0x196: {  	s4 =	rddreg [dreg:$0x18];
	[sflag:s18] =	ssyncadd.s32 $0xFFFFD800  }
0x197: {  	[tilespmem:s21], [sflag:$0x1] =	stream.indirect.gather [hbm4b:s1+s20], $0x80, s4, s20, $0xb8;
	[tilespmem:$0x1C020] =	vst v63  }
0x198: {  	_ =	swait.ge [sflag:s28], $0x2800  }
0x199: {  	[sflag:s28] =	ssyncset.done $0x0  }
0x19a: {  	s5 =	rddreg [dreg:$0x19];
	[sflag:s28] =	ssyncadd.s32 $0xFFFFD800  }
0x19b: {  	[spmem:s2] =	stream.indirect.scatter.add.f32 [tilespmem:s22], [sflag:$0x5], $0x80, s5, s20, $0xb8;
	[tilespmem:$0x1C020] =	vst v63  }
0x19c: {  	_ =	swait.ge [sflag:s18], $0x2800  }
0x19d: {  	[sflag:s18] =	ssyncset.done $0x0  }
0x19e: {  	s25 =	rddreg [dreg:$0x1a];
	[sflag:s18] =	ssyncadd.s32 $0xFFFFD800  }
0x19f: {  	[tilespmem:s22], [sflag:$0x2] =	stream.indirect.gather [hbm4b:s1+s20], $0x80, s25, s20, $0xb8;
	[tilespmem:$0x1C020] =	vst v63  }
0x1a0: {  	_ =	swait.ge [sflag:s29], $0x2800  }
0x1a1: {  	[sflag:s29] =	ssyncset.done $0x0  }
0x1a2: {  	s4 =	rddreg [dreg:$0x1b];
	[sflag:s29] =	ssyncadd.s32 $0xFFFFD800  }
0x1a3: {  	[spmem:s2] =	stream.indirect.scatter.add.f32 [tilespmem:s24], [sflag:$0x5], $0x80, s4, s20, $0xb8;
	[tilespmem:$0x1C020] =	vst v63  }
0x1a4: {  	_ =	swait.ge [sflag:s18], $0x2800  }
0x1a5: {  	[sflag:s18] =	ssyncset.done $0x0  }
0x1a6: {  	s5 =	rddreg [dreg:$0x1c];
	[sflag:s18] =	ssyncadd.s32 $0xFFFFD800  }
0x1a7: {  	[tilespmem:s24], [sflag:$0x3] =	stream.indirect.gather [hbm4b:s1+s20], $0x80, s5, s20, $0xb8;
	[tilespmem:$0x1C020] =	vst v63  }
0x1a8: {  	_ =	swait.ge [sflag:s26], $0x2800  }
0x1a9: {  	[sflag:s26] =	ssyncset.done $0x0  }
0x1aa: {  	s25 =	rddreg [dreg:$0x1d];
	[sflag:s26] =	ssyncadd.s32 $0xFFFFD800  }
0x1ab: {  	[spmem:s2] =	stream.indirect.scatter.add.f32 [tilespmem:s21], [sflag:$0x5], $0x80, s25, s20, $0xb8;
	[tilespmem:$0x1C020] =	vst v63  }
0x1ac: {  	_ =	swait.ge [sflag:s18], $0x2800  }
0x1ad: {  	[sflag:s18] =	ssyncset.done $0x0  }
0x1ae: {  	s4 =	rddreg [dreg:$0x1e];
	[sflag:s18] =	ssyncadd.s32 $0xFFFFD800  }
0x1af: {  	[tilespmem:s21], [sflag:$0x1] =	stream.indirect.gather [hbm4b:s1+s20], $0x80, s4, s20, $0xb8;
	[tilespmem:$0x1C020] =	vst v63  }
0x1b0: {  	_ =	swait.ge [sflag:s28], $0x2800  }
0x1b1: {  	[sflag:s28] =	ssyncset.done $0x0  }
0x1b2: {  	s5 =	rddreg [dreg:$0x1f];
	[sflag:s28] =	ssyncadd.s32 $0xFFFFD800  }
0x1b3: {  	[spmem:s2] =	stream.indirect.scatter.add.f32 [tilespmem:s22], [sflag:$0x5], $0x80, s5, s20, $0xb8;
	[tilespmem:$0x1C020] =	vst v63  }
0x1b4: {  	_ =	swait.ge [sflag:s18], $0x2800  }
0x1b5: {  	s25 =	sld [smem:$0x7F4]  }
0x1b6: {  	[sflag:s18] =	ssyncset.done $0x0  }
0x1b7: {  	[sflag:s18] =	ssyncadd.s32 $0xFFFFD800  }
0x1b8: {  	[tilespmem:s22], [sflag:$0x2] =	stream.indirect.gather [hbm4b:s1+s20], $0x80, s25, s20, $0xb8;
	[tilespmem:$0x1C020] =	vst v63  }
0x1b9: {  	_ =	swait.ge [sflag:s29], $0x2800  }
0x1ba: {  	s4 =	sld [smem:$0x7F5]  }
0x1bb: {  	[sflag:s29] =	ssyncset.done $0x0  }
0x1bc: {  	[sflag:s29] =	ssyncadd.s32 $0xFFFFD800  }
0x1bd: {  	[spmem:s2] =	stream.indirect.scatter.add.f32 [tilespmem:s24], [sflag:$0x5], $0x80, s4, s20, $0xb8;
	[tilespmem:$0x1C020] =	vst v63  }
0x1be: {  	_ =	swait.ge [sflag:s18], $0x2800  }
0x1bf: {  	s5 =	sld [smem:$0x7F6]  }
0x1c0: {  	[sflag:s18] =	ssyncset.done $0x0  }
0x1c1: {  	[sflag:s18] =	ssyncadd.s32 $0xFFFFD800  }
0x1c2: {  	[tilespmem:s24], [sflag:$0x3] =	stream.indirect.gather [hbm4b:s1+s20], $0x80, s5, s20, $0xb8;
	[tilespmem:$0x1C020] =	vst v63  }
0x1c3: {  	_ =	swait.ge [sflag:s26], $0x2800  }
0x1c4: {  	s25 =	sld [smem:$0x7F7]  }
0x1c5: {  	[sflag:s26] =	ssyncset.done $0x0  }
0x1c6: {  	[sflag:s26] =	ssyncadd.s32 $0xFFFFD800  }
0x1c7: {  	[spmem:s2] =	stream.indirect.scatter.add.f32 [tilespmem:s21], [sflag:$0x5], $0x80, s25, s20, $0xb8;
	[tilespmem:$0x1C020] =	vst v63  }
0x1c8: {  	_ =	swait.ge [sflag:s18], $0x2800  }
0x1c9: {  	s4 =	sld [smem:$0x7F8]  }
0x1ca: {  	[sflag:s18] =	ssyncset.done $0x0  }
0x1cb: {  	[sflag:s18] =	ssyncadd.s32 $0xFFFFD800  }
0x1cc: {  	[tilespmem:s21], [sflag:$0x1] =	stream.indirect.gather [hbm4b:s1+s20], $0x80, s4, s20, $0xb8;
	[tilespmem:$0x1C020] =	vst v63  }
0x1cd: {  	_ =	swait.ge [sflag:s28], $0x2800  }
0x1ce: {  	s5 =	sld [smem:$0x7F9]  }
0x1cf: {  	[sflag:s28] =	ssyncset.done $0x0  }
0x1d0: {  	[sflag:s28] =	ssyncadd.s32 $0xFFFFD800  }
0x1d1: {  	[spmem:s2] =	stream.indirect.scatter.add.f32 [tilespmem:s22], [sflag:$0x5], $0x80, s5, s20, $0xb8;
	[tilespmem:$0x1C020] =	vst v63  }
0x1d2: {  	_ =	swait.ge [sflag:s18], $0x2800  }
0x1d3: {  	s25 =	sld [smem:$0x7FA]  }
0x1d4: {  	[sflag:s18] =	ssyncset.done $0x0  }
0x1d5: {  	[sflag:s18] =	ssyncadd.s32 $0xFFFFD800  }
0x1d6: {  	[tilespmem:s22], [sflag:$0x2] =	stream.indirect.gather [hbm4b:s1+s20], $0x80, s25, s20, $0xb8;
	[tilespmem:$0x1C020] =	vst v63  }
0x1d7: {  	_ =	swait.ge [sflag:s29], $0x2800  }
0x1d8: {  	s4 =	sld [smem:$0x7FB]  }
0x1d9: {  	[sflag:s29] =	ssyncset.done $0x0  }
0x1da: {  	[sflag:s29] =	ssyncadd.s32 $0xFFFFD800  }
0x1db: {  	[spmem:s2] =	stream.indirect.scatter.add.f32 [tilespmem:s24], [sflag:$0x5], $0x80, s4, s20, $0xb8;
	[tilespmem:$0x1C020] =	vst v63  }
0x1dc: {  	_ =	swait.ge [sflag:s18], $0x2800  }
0x1dd: {  	s5 =	sld [smem:$0x7FC]  }
0x1de: {  	[sflag:s18] =	ssyncset.done $0x0  }
0x1df: {  	[sflag:s18] =	ssyncadd.s32 $0xFFFFD800  }
0x1e0: {  	[tilespmem:s24], [sflag:$0x3] =	stream.indirect.gather [hbm4b:s1+s20], $0x80, s5, s20, $0xb8;
	[tilespmem:$0x1C020] =	vst v63  }
0x1e1: {  	_ =	swait.ge [sflag:s26], $0x2800  }
0x1e2: {  	s25 =	sld [smem:$0x7FD]  }
0x1e3: {  	[sflag:s26] =	ssyncset.done $0x0  }
0x1e4: {  	[sflag:s26] =	ssyncadd.s32 $0xFFFFD800  }
0x1e5: {  	[spmem:s2] =	stream.indirect.scatter.add.f32 [tilespmem:s21], [sflag:$0x5], $0x80, s25, s20, $0xb8;
	[tilespmem:$0x1C020] =	vst v63  }
0x1e6: {  	_ =	swait.ge [sflag:s18], $0x2800  }
0x1e7: {  	[sflag:s18] =	ssyncset.done $0x0  }
0x1e8: {  	[sflag:s18] =	ssyncadd.s32 $0xFFFFD800  }
0x1e9: {  	[tilespmem:s21], [sflag:$0x1] =	stream.indirect.gather [hbm4b:s1+s20], $0x80, s30, s20, $0xb8;
	[tilespmem:$0x1C020] =	vst v63  }
0x1ea: {  	_ =	swait.ge [sflag:s28], $0x2800  }
0x1eb: {  	[sflag:s28] =	ssyncset.done $0x0  }
0x1ec: {  	[sflag:s28] =	ssyncadd.s32 $0xFFFFD800  }
0x1ed: {  	[spmem:s2] =	stream.indirect.scatter.add.f32 [tilespmem:s22], [sflag:$0x5], $0x80, s31, s20, $0xb8;
	[tilespmem:$0x1C020] =	vst v63  }
0x1ee: {  	_ =	swait.ge [sflag:s18], $0x2800  }
0x1ef: {  	[sflag:s18] =	ssyncset.done $0x0  }
0x1f0: {  	[sflag:s18] =	ssyncadd.s32 $0xFFFFD800  }
0x1f1: {  	[tilespmem:s22], [sflag:$0x2] =	stream.indirect.gather [hbm4b:s1+s20], $0x80, s0, s20, $0xb8;
	[tilespmem:$0x1C020] =	vst v63  }
0x1f2: {  	_ =	swait.ge [sflag:s29], $0x2800  }
0x1f3: {  	[sflag:s29] =	ssyncset.done $0x0  }
0x1f4: {  	[sflag:s29] =	ssyncadd.s32 $0xFFFFD800  }
0x1f5: {  	[spmem:s2] =	stream.indirect.scatter.add.f32 [tilespmem:s24], [sflag:$0x5], $0x80, s23, s20, $0xb8;
	[tilespmem:$0x1C020] =	vst v63  }
0x1f6: {  	_ =	swait.ge [sflag:s18], $0x2800  }
0x1f7: {  	[sflag:s18] =	ssyncset.done $0x0  }
0x1f8: {  	[sflag:s18] =	ssyncadd.s32 $0xFFFFD800  }
0x1f9: {  	[tilespmem:s24], [sflag:$0x3] =	stream.indirect.gather [hbm4b:s1+s20], $0x80, s7, s20, $0xb8;
	[tilespmem:$0x1C020] =	vst v63  }
0x1fa: {  	_ =	swait.ge [sflag:s26], $0x2800  }
0x1fb: {  	[sflag:s26] =	ssyncset.done $0x0  }
0x1fc: {  	[sflag:s26] =	ssyncadd.s32 $0xFFFFD800  }
0x1fd: {  	[spmem:s2] =	stream.indirect.scatter.add.f32 [tilespmem:s21], [sflag:$0x5], $0x80, s9, s20, $0xb8;
	[tilespmem:$0x1C020] =	vst v63  }
0x1fe: {  	_ =	swait.ge [sflag:s18], $0x2800  }
0x1ff: {  	[sflag:s18] =	ssyncset.done $0x0  }
0x200: {  	[sflag:s18] =	ssyncadd.s32 $0xFFFFD800  }
0x201: {  	[tilespmem:s21], [sflag:$0x1] =	stream.indirect.gather [hbm4b:s1+s20], $0x80, s10, s20, $0xb8;
	[tilespmem:$0x1C020] =	vst v63  }
0x202: {  	_ =	swait.ge [sflag:s28], $0x2800  }
0x203: {  	[sflag:s28] =	ssyncset.done $0x0  }
0x204: {  	[sflag:s28] =	ssyncadd.s32 $0xFFFFD800  }
0x205: {  	[spmem:s2] =	stream.indirect.scatter.add.f32 [tilespmem:s22], [sflag:$0x5], $0x80, s11, s20, $0xb8;
	[tilespmem:$0x1C020] =	vst v63  }
0x206: {  	_ =	swait.ge [sflag:s18], $0x2800  }
0x207: {  	[sflag:s18] =	ssyncset.done $0x0  }
0x208: {  	[sflag:s18] =	ssyncadd.s32 $0xFFFFD800  }
0x209: {  	_ =	swait.ge [sflag:s29], $0x2800  }
0x20a: {  	[sflag:s29] =	ssyncset.done $0x0  }
0x20b: {  	[sflag:s29] =	ssyncadd.s32 $0xFFFFD800  }
0x20c: {  	[spmem:s2] =	stream.indirect.scatter.add.f32 [tilespmem:s24], [sflag:$0x5], $0x80, s12, s20, $0xb8;
	[tilespmem:$0x1C020] =	vst v63  }
0x20d: {  	_ =	swait.ge [sflag:s18], $0x2800  }
0x20e: {  	[sflag:s18] =	ssyncset.done $0x0  }
0x20f: {  	s17 =	sadd.s32 $0xFA, s17;
	[sflag:s18] =	ssyncadd.s32 $0xFFFFD800  }
0x210: {  	p4 =	sne.s32 s17, $0x4E2;
	_ =	swait.ge [sflag:s26], $0x2800  }
.Ltmp0:
0x211: {  	[sflag:s26] =	ssyncset.done $0x0;
	(pc) =	sbr.rel @p4 .LBB2_2-.Ltmp0, $4  }
0x212: {  	[sflag:s26] =	ssyncadd.s32 $0xFFFFD800  }
0x213: {  	[spmem:s2] =	stream.indirect.scatter.add.f32 [tilespmem:s21], [sflag:$0x5], $0x80, s13, s20, $0xb8;
	[tilespmem:$0x1C020] =	vst v63  }
0x214: {  	_ =	swait.ge [sflag:s18], $0x2800  }
0x215: {  	s3 =	rddreg [dreg:$0x5];
	[sflag:s18] =	ssyncset.done $0x0  }
0x216: {  	[sflag:s18] =	ssyncadd.s32 $0xFFFFD800;
	p4 =	seq.s32 s16, $0x0  }
0x217: {  	s3 =	sadd.s32 @!p4 s16, s3;
	s4 =	simm.s32 @!p4 $0x0;
	s5 =	simm.s32 @!p4 $0x5  }
0x218: {  	[tilespmem:s4], [sflag:$0x5] =	stream.linear.gather @!p4 [hbm4b:s3+s4], $0x7D0, $0x38;
	[tilespmem:$0x1C020] =	vst v63  }
0x219: {  	_ =	swait.ge @!p4 [sflag:s5], $0x7D0  }
0x21a: {  	s3 =	rddreg [dreg:$0x4];
	[sflag:s5] =	ssyncset.done @!p4 $0x0  }
0x21b: {  	[sflag:s5] =	ssyncadd.s32 @!p4 $0xFFFFF830;
	s3 =	sadd.s32 @!p4 s16, s3;
	s16 =	simm.s32 @!p4 $0x7D0  }
0x21c: {  	[tilespmem:s16], [sflag:$0x5] =	stream.linear.gather @!p4 [hbm4b:s3+s4], $0x7D0, $0x38;
	[tilespmem:$0x1C020] =	vst v63  }
0x21d: {  	_ =	swait.ge @!p4 [sflag:s5], $0x7D0  }
0x21e: {  	[sflag:s5] =	ssyncset.done @!p4 $0x0  }
0x21f: {  	s3 =	simm.s32 @!p4 $0x50;
	[sflag:s5] =	ssyncadd.s32 @!p4 $0xFFFFF830;
	s5 =	simm.s32 @!p4 $0xFA0  }
0x220: {  	[tilespmem:s5], [sflag:$0x1] =	stream.indirect.gather @!p4 [hbm4b:s1+s3], $0x80, s4, s3, $0xb8;
	[tilespmem:$0x1C020] =	vst v63  }
0x221: {  	s4 =	simm.s32 @!p4 $0x37A0  }
0x222: {  	[tilespmem:s4], [sflag:$0x2] =	stream.indirect.gather @!p4 [hbm4b:s1+s3], $0x80, s3, s3, $0xb8;
	[tilespmem:$0x1C020] =	vst v63  }
0x223: {  	s5 =	simm.s32 @!p4 $0x5FA0;
	s4 =	simm.s32 @!p4 $0xA0  }
0x224: {  	[tilespmem:s5], [sflag:$0x3] =	stream.indirect.gather @!p4 [hbm4b:s1+s3], $0x80, s4, s3, $0xb8;
	[tilespmem:$0x1C020] =	vst v63  }
0x225: {  	_ =	swait.ge [sflag:s26], $0x2800  }
0x226: {  	[sflag:s26] =	ssyncset.done $0x0  }
0x227: {  	[sflag:s26] =	ssyncadd.s32 $0xFFFFD800  }
0x228: {  	[spmem:s2] =	stream.indirect.scatter.add.f32 [tilespmem:s21], [sflag:$0x5], $0x80, s19, s20, $0xb8;
	[tilespmem:$0x1C020] =	vst v63  }
0x229: {  	_ =	swait.ge [sflag:s18], $0x2800  }
0x22a: {  	[sflag:s18] =	ssyncset.done $0x0  }
0x22b: {  	s25 =	rddreg [dreg:$0x6];
	[sflag:s18] =	ssyncadd.s32 $0xFFFFD800  }
0x22c: {  	[tilespmem:s21], [sflag:$0x1] =	stream.indirect.gather [hbm4b:s1+s20], $0x80, s25, s20, $0xb8;
	[tilespmem:$0x1C020] =	vst v63  }
0x22d: {  	_ =	swait.ge [sflag:s28], $0x2800  }
0x22e: {  	[sflag:s28] =	ssyncset.done $0x0  }
0x22f: {  	s4 =	rddreg [dreg:$0x7];
	[sflag:s28] =	ssyncadd.s32 $0xFFFFD800  }
0x230: {  	[spmem:s2] =	stream.indirect.scatter.add.f32 [tilespmem:s22], [sflag:$0x5], $0x80, s4, s20, $0xb8;
	[tilespmem:$0x1C020] =	vst v63  }
0x231: {  	_ =	swait.ge [sflag:s18], $0x2800  }
0x232: {  	[sflag:s18] =	ssyncset.done $0x0  }
0x233: {  	s5 =	rddreg [dreg:$0x8];
	[sflag:s18] =	ssyncadd.s32 $0xFFFFD800  }
0x234: {  	[tilespmem:s22], [sflag:$0x2] =	stream.indirect.gather [hbm4b:s1+s20], $0x80, s5, s20, $0xb8;
	[tilespmem:$0x1C020] =	vst v63  }
0x235: {  	_ =	swait.ge [sflag:s29], $0x2800  }
0x236: {  	[sflag:s29] =	ssyncset.done $0x0  }
0x237: {  	s16 =	rddreg [dreg:$0x9];
	[sflag:s29] =	ssyncadd.s32 $0xFFFFD800  }
0x238: {  	[spmem:s2] =	stream.indirect.scatter.add.f32 [tilespmem:s24], [sflag:$0x5], $0x80, s16, s20, $0xb8;
	[tilespmem:$0x1C020] =	vst v63  }
0x239: {  	_ =	swait.ge [sflag:s18], $0x2800  }
0x23a: {  	[sflag:s18] =	ssyncset.done $0x0  }
0x23b: {  	s17 =	rddreg [dreg:$0xa];
	[sflag:s18] =	ssyncadd.s32 $0xFFFFD800  }
0x23c: {  	[tilespmem:s24], [sflag:$0x3] =	stream.indirect.gather [hbm4b:s1+s20], $0x80, s17, s20, $0xb8;
	[tilespmem:$0x1C020] =	vst v63  }
0x23d: {  	_ =	swait.ge [sflag:s26], $0x2800  }
0x23e: {  	[sflag:s26] =	ssyncset.done $0x0  }
0x23f: {  	s25 =	rddreg [dreg:$0xb];
	[sflag:s26] =	ssyncadd.s32 $0xFFFFD800  }
0x240: {  	[spmem:s2] =	stream.indirect.scatter.add.f32 [tilespmem:s21], [sflag:$0x5], $0x80, s25, s20, $0xb8;
	[tilespmem:$0x1C020] =	vst v63  }
0x241: {  	_ =	swait.ge [sflag:s18], $0x2800  }
0x242: {  	[sflag:s18] =	ssyncset.done $0x0  }
0x243: {  	s4 =	rddreg [dreg:$0xc];
	[sflag:s18] =	ssyncadd.s32 $0xFFFFD800  }
0x244: {  	[tilespmem:s21], [sflag:$0x1] =	stream.indirect.gather [hbm4b:s1+s20], $0x80, s4, s20, $0xb8;
	[tilespmem:$0x1C020] =	vst v63  }
0x245: {  	_ =	swait.ge [sflag:s28], $0x2800  }
0x246: {  	[sflag:s28] =	ssyncset.done $0x0  }
0x247: {  	s5 =	rddreg [dreg:$0xd];
	[sflag:s28] =	ssyncadd.s32 $0xFFFFD800  }
0x248: {  	[spmem:s2] =	stream.indirect.scatter.add.f32 [tilespmem:s22], [sflag:$0x5], $0x80, s5, s20, $0xb8;
	[tilespmem:$0x1C020] =	vst v63  }
0x249: {  	_ =	swait.ge [sflag:s18], $0x2800  }
0x24a: {  	[sflag:s18] =	ssyncset.done $0x0  }
0x24b: {  	s16 =	rddreg [dreg:$0xe];
	[sflag:s18] =	ssyncadd.s32 $0xFFFFD800  }
0x24c: {  	[tilespmem:s22], [sflag:$0x2] =	stream.indirect.gather [hbm4b:s1+s20], $0x80, s16, s20, $0xb8;
	[tilespmem:$0x1C020] =	vst v63  }
0x24d: {  	_ =	swait.ge [sflag:s29], $0x2800  }
0x24e: {  	[sflag:s29] =	ssyncset.done $0x0  }
0x24f: {  	s17 =	rddreg [dreg:$0xf];
	[sflag:s29] =	ssyncadd.s32 $0xFFFFD800  }
0x250: {  	[spmem:s2] =	stream.indirect.scatter.add.f32 [tilespmem:s24], [sflag:$0x5], $0x80, s17, s20, $0xb8;
	[tilespmem:$0x1C020] =	vst v63  }
0x251: {  	_ =	swait.ge [sflag:s18], $0x2800  }
0x252: {  	[sflag:s18] =	ssyncset.done $0x0  }
0x253: {  	s25 =	rddreg [dreg:$0x10];
	[sflag:s18] =	ssyncadd.s32 $0xFFFFD800  }
0x254: {  	[tilespmem:s24], [sflag:$0x3] =	stream.indirect.gather [hbm4b:s1+s20], $0x80, s25, s20, $0xb8;
	[tilespmem:$0x1C020] =	vst v63  }
0x255: {  	_ =	swait.ge [sflag:s26], $0x2800  }
0x256: {  	[sflag:s26] =	ssyncset.done $0x0  }
0x257: {  	s4 =	rddreg [dreg:$0x11];
	[sflag:s26] =	ssyncadd.s32 $0xFFFFD800  }
0x258: {  	[spmem:s2] =	stream.indirect.scatter.add.f32 [tilespmem:s21], [sflag:$0x5], $0x80, s4, s20, $0xb8;
	[tilespmem:$0x1C020] =	vst v63  }
0x259: {  	_ =	swait.ge [sflag:s18], $0x2800  }
0x25a: {  	[sflag:s18] =	ssyncset.done $0x0  }
0x25b: {  	s5 =	rddreg [dreg:$0x12];
	[sflag:s18] =	ssyncadd.s32 $0xFFFFD800  }
0x25c: {  	[tilespmem:s21], [sflag:$0x1] =	stream.indirect.gather [hbm4b:s1+s20], $0x80, s5, s20, $0xb8;
	[tilespmem:$0x1C020] =	vst v63  }
0x25d: {  	_ =	swait.ge [sflag:s28], $0x2800  }
0x25e: {  	[sflag:s28] =	ssyncset.done $0x0  }
0x25f: {  	s16 =	rddreg [dreg:$0x13];
	[sflag:s28] =	ssyncadd.s32 $0xFFFFD800  }
0x260: {  	[spmem:s2] =	stream.indirect.scatter.add.f32 [tilespmem:s22], [sflag:$0x5], $0x80, s16, s20, $0xb8;
	[tilespmem:$0x1C020] =	vst v63  }
0x261: {  	_ =	swait.ge [sflag:s18], $0x2800  }
0x262: {  	[sflag:s18] =	ssyncset.done $0x0  }
0x263: {  	s17 =	rddreg [dreg:$0x14];
	[sflag:s18] =	ssyncadd.s32 $0xFFFFD800  }
0x264: {  	[tilespmem:s22], [sflag:$0x2] =	stream.indirect.gather [hbm4b:s1+s20], $0x80, s17, s20, $0xb8;
	[tilespmem:$0x1C020] =	vst v63  }
0x265: {  	_ =	swait.ge [sflag:s29], $0x2800  }
0x266: {  	[sflag:s29] =	ssyncset.done $0x0  }
0x267: {  	s25 =	rddreg [dreg:$0x15];
	[sflag:s29] =	ssyncadd.s32 $0xFFFFD800  }
0x268: {  	[spmem:s2] =	stream.indirect.scatter.add.f32 [tilespmem:s24], [sflag:$0x5], $0x80, s25, s20, $0xb8;
	[tilespmem:$0x1C020] =	vst v63  }
0x269: {  	_ =	swait.ge [sflag:s18], $0x2800  }
0x26a: {  	[sflag:s18] =	ssyncset.done $0x0  }
0x26b: {  	s4 =	rddreg [dreg:$0x16];
	[sflag:s18] =	ssyncadd.s32 $0xFFFFD800  }
0x26c: {  	[tilespmem:s24], [sflag:$0x3] =	stream.indirect.gather [hbm4b:s1+s20], $0x80, s4, s20, $0xb8;
	[tilespmem:$0x1C020] =	vst v63  }
0x26d: {  	_ =	swait.ge [sflag:s26], $0x2800  }
0x26e: {  	[sflag:s26] =	ssyncset.done $0x0  }
0x26f: {  	s5 =	rddreg [dreg:$0x17];
	[sflag:s26] =	ssyncadd.s32 $0xFFFFD800  }
0x270: {  	[spmem:s2] =	stream.indirect.scatter.add.f32 [tilespmem:s21], [sflag:$0x5], $0x80, s5, s20, $0xb8;
	[tilespmem:$0x1C020] =	vst v63  }
0x271: {  	_ =	swait.ge [sflag:s18], $0x2800  }
0x272: {  	[sflag:s18] =	ssyncset.done $0x0  }
0x273: {  	s16 =	rddreg [dreg:$0x18];
	[sflag:s18] =	ssyncadd.s32 $0xFFFFD800  }
0x274: {  	[tilespmem:s21], [sflag:$0x1] =	stream.indirect.gather [hbm4b:s1+s20], $0x80, s16, s20, $0xb8;
	[tilespmem:$0x1C020] =	vst v63  }
0x275: {  	_ =	swait.ge [sflag:s28], $0x2800  }
0x276: {  	[sflag:s28] =	ssyncset.done $0x0  }
0x277: {  	s17 =	rddreg [dreg:$0x19];
	[sflag:s28] =	ssyncadd.s32 $0xFFFFD800  }
0x278: {  	[spmem:s2] =	stream.indirect.scatter.add.f32 [tilespmem:s22], [sflag:$0x5], $0x80, s17, s20, $0xb8;
	[tilespmem:$0x1C020] =	vst v63  }
0x279: {  	_ =	swait.ge [sflag:s18], $0x2800  }
0x27a: {  	[sflag:s18] =	ssyncset.done $0x0  }
0x27b: {  	s25 =	rddreg [dreg:$0x1a];
	[sflag:s18] =	ssyncadd.s32 $0xFFFFD800  }
0x27c: {  	[tilespmem:s22], [sflag:$0x2] =	stream.indirect.gather [hbm4b:s1+s20], $0x80, s25, s20, $0xb8;
	[tilespmem:$0x1C020] =	vst v63  }
0x27d: {  	_ =	swait.ge [sflag:s29], $0x2800  }
0x27e: {  	[sflag:s29] =	ssyncset.done $0x0  }
0x27f: {  	s4 =	rddreg [dreg:$0x1b];
	[sflag:s29] =	ssyncadd.s32 $0xFFFFD800  }
0x280: {  	[spmem:s2] =	stream.indirect.scatter.add.f32 [tilespmem:s24], [sflag:$0x5], $0x80, s4, s20, $0xb8;
	[tilespmem:$0x1C020] =	vst v63  }
0x281: {  	_ =	swait.ge [sflag:s18], $0x2800  }
0x282: {  	[sflag:s18] =	ssyncset.done $0x0  }
0x283: {  	s5 =	rddreg [dreg:$0x1c];
	[sflag:s18] =	ssyncadd.s32 $0xFFFFD800  }
0x284: {  	[tilespmem:s24], [sflag:$0x3] =	stream.indirect.gather [hbm4b:s1+s20], $0x80, s5, s20, $0xb8;
	[tilespmem:$0x1C020] =	vst v63  }
0x285: {  	_ =	swait.ge [sflag:s26], $0x2800  }
0x286: {  	[sflag:s26] =	ssyncset.done $0x0  }
0x287: {  	s16 =	rddreg [dreg:$0x1d];
	[sflag:s26] =	ssyncadd.s32 $0xFFFFD800  }
0x288: {  	[spmem:s2] =	stream.indirect.scatter.add.f32 [tilespmem:s21], [sflag:$0x5], $0x80, s16, s20, $0xb8;
	[tilespmem:$0x1C020] =	vst v63  }
0x289: {  	_ =	swait.ge [sflag:s18], $0x2800  }
0x28a: {  	[sflag:s18] =	ssyncset.done $0x0  }
0x28b: {  	s17 =	rddreg [dreg:$0x1e];
	[sflag:s18] =	ssyncadd.s32 $0xFFFFD800  }
0x28c: {  	[tilespmem:s21], [sflag:$0x1] =	stream.indirect.gather [hbm4b:s1+s20], $0x80, s17, s20, $0xb8;
	[tilespmem:$0x1C020] =	vst v63  }
0x28d: {  	_ =	swait.ge [sflag:s28], $0x2800  }
0x28e: {  	[sflag:s28] =	ssyncset.done $0x0  }
0x28f: {  	s25 =	rddreg [dreg:$0x1f];
	[sflag:s28] =	ssyncadd.s32 $0xFFFFD800  }
0x290: {  	[spmem:s2] =	stream.indirect.scatter.add.f32 [tilespmem:s22], [sflag:$0x5], $0x80, s25, s20, $0xb8;
	[tilespmem:$0x1C020] =	vst v63  }
0x291: {  	_ =	swait.ge [sflag:s18], $0x2800  }
0x292: {  	s4 =	sld [smem:$0x7F4]  }
0x293: {  	[sflag:s18] =	ssyncset.done $0x0  }
0x294: {  	[sflag:s18] =	ssyncadd.s32 $0xFFFFD800  }
0x295: {  	[tilespmem:s22], [sflag:$0x2] =	stream.indirect.gather [hbm4b:s1+s20], $0x80, s4, s20, $0xb8;
	[tilespmem:$0x1C020] =	vst v63  }
0x296: {  	_ =	swait.ge [sflag:s29], $0x2800  }
0x297: {  	s5 =	sld [smem:$0x7F5]  }
0x298: {  	[sflag:s29] =	ssyncset.done $0x0  }
0x299: {  	[sflag:s29] =	ssyncadd.s32 $0xFFFFD800  }
0x29a: {  	[spmem:s2] =	stream.indirect.scatter.add.f32 [tilespmem:s24], [sflag:$0x5], $0x80, s5, s20, $0xb8;
	[tilespmem:$0x1C020] =	vst v63  }
0x29b: {  	_ =	swait.ge [sflag:s18], $0x2800  }
0x29c: {  	s16 =	sld [smem:$0x7F6]  }
0x29d: {  	[sflag:s18] =	ssyncset.done $0x0  }
0x29e: {  	[sflag:s18] =	ssyncadd.s32 $0xFFFFD800  }
0x29f: {  	[tilespmem:s24], [sflag:$0x3] =	stream.indirect.gather [hbm4b:s1+s20], $0x80, s16, s20, $0xb8;
	[tilespmem:$0x1C020] =	vst v63  }
0x2a0: {  	_ =	swait.ge [sflag:s26], $0x2800  }
0x2a1: {  	s17 =	sld [smem:$0x7F7]  }
0x2a2: {  	[sflag:s26] =	ssyncset.done $0x0  }
0x2a3: {  	[sflag:s26] =	ssyncadd.s32 $0xFFFFD800  }
0x2a4: {  	[spmem:s2] =	stream.indirect.scatter.add.f32 [tilespmem:s21], [sflag:$0x5], $0x80, s17, s20, $0xb8;
	[tilespmem:$0x1C020] =	vst v63  }
0x2a5: {  	_ =	swait.ge [sflag:s18], $0x2800  }
0x2a6: {  	s25 =	sld [smem:$0x7F8]  }
0x2a7: {  	[sflag:s18] =	ssyncset.done $0x0  }
0x2a8: {  	[sflag:s18] =	ssyncadd.s32 $0xFFFFD800  }
0x2a9: {  	[tilespmem:s21], [sflag:$0x1] =	stream.indirect.gather [hbm4b:s1+s20], $0x80, s25, s20, $0xb8;
	[tilespmem:$0x1C020] =	vst v63  }
0x2aa: {  	_ =	swait.ge [sflag:s28], $0x2800  }
0x2ab: {  	s4 =	sld [smem:$0x7F9]  }
0x2ac: {  	[sflag:s28] =	ssyncset.done $0x0  }
0x2ad: {  	[sflag:s28] =	ssyncadd.s32 $0xFFFFD800  }
0x2ae: {  	[spmem:s2] =	stream.indirect.scatter.add.f32 [tilespmem:s22], [sflag:$0x5], $0x80, s4, s20, $0xb8;
	[tilespmem:$0x1C020] =	vst v63  }
0x2af: {  	_ =	swait.ge [sflag:s18], $0x2800  }
0x2b0: {  	s5 =	sld [smem:$0x7FA]  }
0x2b1: {  	[sflag:s18] =	ssyncset.done $0x0  }
0x2b2: {  	[sflag:s18] =	ssyncadd.s32 $0xFFFFD800  }
0x2b3: {  	[tilespmem:s22], [sflag:$0x2] =	stream.indirect.gather [hbm4b:s1+s20], $0x80, s5, s20, $0xb8;
	[tilespmem:$0x1C020] =	vst v63  }
0x2b4: {  	_ =	swait.ge [sflag:s29], $0x2800  }
0x2b5: {  	s16 =	sld [smem:$0x7FB]  }
0x2b6: {  	[sflag:s29] =	ssyncset.done $0x0  }
0x2b7: {  	[sflag:s29] =	ssyncadd.s32 $0xFFFFD800  }
0x2b8: {  	[spmem:s2] =	stream.indirect.scatter.add.f32 [tilespmem:s24], [sflag:$0x5], $0x80, s16, s20, $0xb8;
	[tilespmem:$0x1C020] =	vst v63  }
0x2b9: {  	_ =	swait.ge [sflag:s18], $0x2800  }
0x2ba: {  	s17 =	sld [smem:$0x7FC]  }
0x2bb: {  	[sflag:s18] =	ssyncset.done $0x0  }
0x2bc: {  	[sflag:s18] =	ssyncadd.s32 $0xFFFFD800  }
0x2bd: {  	[tilespmem:s24], [sflag:$0x3] =	stream.indirect.gather [hbm4b:s1+s20], $0x80, s17, s20, $0xb8;
	[tilespmem:$0x1C020] =	vst v63  }
0x2be: {  	_ =	swait.ge [sflag:s26], $0x2800  }
0x2bf: {  	s25 =	sld [smem:$0x7FD]  }
0x2c0: {  	[sflag:s26] =	ssyncset.done $0x0  }
0x2c1: {  	[sflag:s26] =	ssyncadd.s32 $0xFFFFD800  }
0x2c2: {  	[spmem:s2] =	stream.indirect.scatter.add.f32 [tilespmem:s21], [sflag:$0x5], $0x80, s25, s20, $0xb8;
	[tilespmem:$0x1C020] =	vst v63  }
0x2c3: {  	_ =	swait.ge [sflag:s18], $0x2800  }
0x2c4: {  	[sflag:s18] =	ssyncset.done $0x0  }
0x2c5: {  	[sflag:s18] =	ssyncadd.s32 $0xFFFFD800  }
0x2c6: {  	[tilespmem:s21], [sflag:$0x1] =	stream.indirect.gather [hbm4b:s1+s20], $0x80, s30, s20, $0xb8;
	[tilespmem:$0x1C020] =	vst v63  }
0x2c7: {  	_ =	swait.ge [sflag:s28], $0x2800  }
0x2c8: {  	[sflag:s28] =	ssyncset.done $0x0  }
0x2c9: {  	[sflag:s28] =	ssyncadd.s32 $0xFFFFD800  }
0x2ca: {  	[spmem:s2] =	stream.indirect.scatter.add.f32 [tilespmem:s22], [sflag:$0x5], $0x80, s31, s20, $0xb8;
	[tilespmem:$0x1C020] =	vst v63  }
0x2cb: {  	_ =	swait.ge [sflag:s18], $0x2800  }
0x2cc: {  	[sflag:s18] =	ssyncset.done $0x0  }
0x2cd: {  	[sflag:s18] =	ssyncadd.s32 $0xFFFFD800  }
0x2ce: {  	[tilespmem:s22], [sflag:$0x2] =	stream.indirect.gather [hbm4b:s1+s20], $0x80, s0, s20, $0xb8;
	[tilespmem:$0x1C020] =	vst v63  }
0x2cf: {  	_ =	swait.ge [sflag:s29], $0x2800  }
0x2d0: {  	[sflag:s29] =	ssyncset.done $0x0  }
0x2d1: {  	[sflag:s29] =	ssyncadd.s32 $0xFFFFD800  }
0x2d2: {  	[spmem:s2] =	stream.indirect.scatter.add.f32 [tilespmem:s24], [sflag:$0x5], $0x80, s23, s20, $0xb8;
	[tilespmem:$0x1C020] =	vst v63  }
0x2d3: {  	_ =	swait.ge [sflag:s18], $0x2800  }
0x2d4: {  	[sflag:s18] =	ssyncset.done $0x0  }
0x2d5: {  	[sflag:s18] =	ssyncadd.s32 $0xFFFFD800  }
0x2d6: {  	[tilespmem:s24], [sflag:$0x3] =	stream.indirect.gather [hbm4b:s1+s20], $0x80, s7, s20, $0xb8;
	[tilespmem:$0x1C020] =	vst v63  }
0x2d7: {  	_ =	swait.ge [sflag:s26], $0x2800  }
0x2d8: {  	[sflag:s26] =	ssyncset.done $0x0  }
0x2d9: {  	[sflag:s26] =	ssyncadd.s32 $0xFFFFD800  }
0x2da: {  	[spmem:s2] =	stream.indirect.scatter.add.f32 [tilespmem:s21], [sflag:$0x5], $0x80, s9, s20, $0xb8;
	[tilespmem:$0x1C020] =	vst v63  }
0x2db: {  	_ =	swait.ge [sflag:s18], $0x2800  }
0x2dc: {  	[sflag:s18] =	ssyncset.done $0x0  }
0x2dd: {  	[sflag:s18] =	ssyncadd.s32 $0xFFFFD800  }
0x2de: {  	[tilespmem:s21], [sflag:$0x1] =	stream.indirect.gather [hbm4b:s1+s20], $0x80, s10, s20, $0xb8;
	[tilespmem:$0x1C020] =	vst v63  }
0x2df: {  	_ =	swait.ge [sflag:s28], $0x2800  }
0x2e0: {  	[sflag:s28] =	ssyncset.done $0x0  }
0x2e1: {  	[sflag:s28] =	ssyncadd.s32 $0xFFFFD800  }
0x2e2: {  	[spmem:s2] =	stream.indirect.scatter.add.f32 [tilespmem:s22], [sflag:$0x5], $0x80, s11, s20, $0xb8;
	[tilespmem:$0x1C020] =	vst v63  }
0x2e3: {  	_ =	swait.ge [sflag:s18], $0x2800  }
0x2e4: {  	[sflag:s18] =	ssyncset.done $0x0  }
0x2e5: {  	[sflag:s18] =	ssyncadd.s32 $0xFFFFD800  }
0x2e6: {  	_ =	swait.ge [sflag:s29], $0x2800  }
0x2e7: {  	[sflag:s29] =	ssyncset.done $0x0  }
0x2e8: {  	[sflag:s29] =	ssyncadd.s32 $0xFFFFD800  }
0x2e9: {  	[spmem:s2] =	stream.indirect.scatter.add.f32 [tilespmem:s24], [sflag:$0x5], $0x80, s12, s20, $0xb8;
	[tilespmem:$0x1C020] =	vst v63  }
0x2ea: {  	_ =	swait.ge [sflag:s18], $0x2800  }
0x2eb: {  	[sflag:s18] =	ssyncset.done $0x0  }
0x2ec: {  	[sflag:s18] =	ssyncadd.s32 $0xFFFFD800  }
0x2ed: {  	_ =	swait.ge [sflag:s26], $0x2800  }
0x2ee: {  	[sflag:s26] =	ssyncset.done $0x0  }
0x2ef: {  	[sflag:s26] =	ssyncadd.s32 $0xFFFFD800  }
0x2f0: {  	[spmem:s2] =	stream.indirect.scatter.add.f32 [tilespmem:s21], [sflag:$0x5], $0x80, s13, s20, $0xb8;
	[tilespmem:$0x1C020] =	vst v63  }
0x2f1: {  	_ =	swait.ge [sflag:s18], $0x2800  }
0x2f2: {  	[sflag:s18] =	ssyncset.done $0x0  }
0x2f3: {  	[sflag:s18] =	ssyncadd.s32 $0xFFFFD800  }
0x2f4: {  	[bflag:$0x0] =	sbarrier.arrive $0xFFFF  }
0x2f5: {  	s5 =	stileid.u32;
	s17 =	sld [smem:$0x7EF]  }
0x2f6: {  	s4 =	sshll.u32 s5, $0x6  }
0x2f7: {  	s3 =	sor.u32 $0x1C05, s4;
	s16 =	sshrl.u32 s6, $0x3  }
0x2f8: {  	[hbm:s17], [sflag:s3] =	dma.local [spmem:s16], $0x2700  }
0x2f9: {  	_ =	swait.ge [sflag:s18], $0x2700  }
0x2fa: {  	s16 =	sld [smem:$0x7F0]  }
0x2fb: {  	[sflag:s18] =	ssyncset.done $0x0  }
0x2fc: {  	s4 =	sshrl.u32 @!p3 s8, $0x3;
	[sflag:s18] =	ssyncadd.s32 $0xFFFFD900  }
0x2fd: {  	[hbm:s16], [sflag:s3] =	dma.local @!p3 [spmem:s4], $0x100  }
0x2fe: {  	s3 =	simm.s32 @!p3 $0x5  }
0x2ff: {  	_ =	swait.ge @!p3 [sflag:s3], $0x100  }
0x300: {  	s25 =	sld [smem:$0x7F1];
	_ =	sdelay $0x1  }
0x301: {  	s14 =	sadd.s32 $0x1, s14  }
0x302: {  	p4 =	sne.s32 s14, s25  }
.Ltmp1:
0x303: {  	_ = 	snop;
	(pc) =	sbr.rel @p4 .LBB2_1-.Ltmp1, $3  }
0x304: {  	_ =	sdelay $0x1  }
0x305: {  	[sflag:s3] =	ssyncset.done @!p3 $0x0  }
0x306: {  	[sflag:s3] =	ssyncadd.s32 @!p3 $0xFFFFFF00  }
0x307: {  	_ =	sfence.sel $0x180000  }
0x308: {  	[bflag:$0x0] =	sbarrier.arrive $0xFFFF  }
0x309: {  	_ =	strace $0x90000047  }
0x30a: {  	[bflag:$0x2] =	sbarrier.arrive $0xFFFF  }
0x30b: {  	p0 =	sne.s32 s5, $0x0;
	s0 =	rddreg [dreg:$0x3]  }
0x30c: {  	s0 =	sadd.s32 @!p0 $0x100000, s0  }
0x30d: {  	[sflag:s0] =	ssyncadd.tile.s32 @!p0 $0x1;
	_ =	shalt  }
.Lfunc_end2:
_tile_overlayer_lowered:
.L_overlay_start_2:
0x30e: {  	(tag) =	ssettag $0x2  }
0x30f: {  	s0 =	rddreg [dreg:$0x0];
	s2 =	stileid.u32  }
0x310: {  	s1 =	rddreg [dreg:$0x1];
	p0 =	sne.s32 s2, $0x0  }
0x311: {  	s3 =	rddreg [dreg:$0x2];
	[bflag:$0x3] =	sbarrier.arrive $0xFFFF;
	s2 =	simm.s32 @!p0 $0x1C05  }
0x312: {  	[timem:s3], [sflag:s2] =	dma.local @!p0 [hbm:s0], s1  }
0x313: {  	s0 =	simm.s32 @!p0 $0x5  }
0x314: {  	_ =	swait.ge @!p0 [sflag:s0], s1  }
0x315: {  	s1 =	ssub.s32 @!p0 $0x0, s1;
	[sflag:s0] =	ssyncset.done @!p0 $0x0  }
0x316: {  	[sflag:s0] =	ssyncadd.s32 @!p0 s1  }
0x317: {  	[bflag:$0x3] =	sbarrier.arrive $0xFFFF  }
0x318: {  	_ =	shalt  }

</sc_bundles>
